<compile_context>
chip_gen: v7x
topology: tpu7x:2x2x1
jax: 0.10.2.dev20260603
libtpu: 0.0.44.dev20260713+nightly
codegen_flags: <defaults>
</compile_context>

<pallas_src>
import math

import jax
import jax.numpy as jnp
import numpy as np
from jax import lax
from jax.experimental import pallas as pl
from jax.experimental.pallas import tpu as pltpu
from jax.experimental.pallas import tpu_sc as plsc

_NUM_HEADS = 16
_L = 1024
_GRID = 32
_SLAB_COLS = 2016
_SLAB_PAD = 2048
_LANES = 16


def _piecewise_index(rp: np.ndarray) -> np.ndarray:
    alpha, beta, gamma = 1.9, 3.8, 15.2
    rp = rp.astype(np.float32)
    rp_abs = np.abs(rp)
    mask = rp_abs <= alpha
    safe_abs = np.where(mask, 1.0, rp_abs)
    y = np.sign(rp) * np.minimum(
        np.round(alpha + np.log(safe_abs / alpha) / math.log(gamma / alpha)
                 * (beta - alpha)), beta)
    return np.where(mask, np.round(rp), y).astype(np.int32)


def _build_slab_index_map() -> np.ndarray:
    f = _piecewise_index(np.arange(-31, 32)) + 3
    xi = np.arange(_GRID)
    m = np.arange(2 * _GRID - 1)
    fm = f[62 - m]
    fx = f[(xi[:, None] - xi[None, :]) + 31]
    full = (fm[None, :, None] * 7 + fx[:, None, :]).reshape(_GRID, _SLAB_COLS)
    padded = np.zeros((_GRID, _SLAB_PAD), np.int32)
    padded[:, :_SLAB_COLS] = full
    return np.ascontiguousarray(
        padded.reshape(2, 16, _SLAB_PAD).astype(np.int32))


_SLAB_MAP = _build_slab_index_map()


def _sc_gather_kernel(table_hbm, map_hbm, wall_hbm, tab_v, map_v, w_v):
    c = lax.axis_index("c")
    s = lax.axis_index("s")
    pltpu.sync_copy(table_hbm, tab_v)
    pltpu.sync_copy(map_hbm.at[c], map_v)
    hoff = jnp.broadcast_to(s * 49, (_LANES,)).astype(jnp.int32)

    n_chunks = _SLAB_PAD // _LANES

    @plsc.parallel_loop(0, n_chunks, unroll=4)
    def chunk_body(j):
        off = j * _LANES
        for r in range(16):
            idx = map_v[r, pl.ds(off, _LANES)] + hoff
            w_v[r, pl.ds(off, _LANES)] = plsc.load_gather(tab_v, [idx])
    pltpu.sync_copy(w_v, wall_hbm.at[s, pl.ds(c * 16, 16), :])


def _tc_expand_kernel(w_ref, out_ref):
    w = w_ref[0]
    for yi in range(_GRID):
        start = (31 - yi) * _GRID
        out_ref[0, 0, yi * _GRID:(yi + 1) * _GRID, :] = (
            w[:, start:start + _L])


def kernel(x, lookup_table_bias):
    del x
    table = lookup_table_bias.reshape(-1)
    slab_map = jnp.asarray(_SLAB_MAP)

    mesh = plsc.VectorSubcoreMesh(core_axis_name="c", subcore_axis_name="s")
    gather = pl.kernel(
        _sc_gather_kernel,
        out_type=jax.ShapeDtypeStruct((_NUM_HEADS, _GRID, _SLAB_PAD),
                                      jnp.float32),
        mesh=mesh,
        scratch_types=[
            pltpu.VMEM((_NUM_HEADS * 49,), jnp.float32),
            pltpu.VMEM((16, _SLAB_PAD), jnp.int32),
            pltpu.VMEM((16, _SLAB_PAD), jnp.float32),
        ],
        compiler_params=pltpu.CompilerParams(
            use_tc_tiling_on_sc=True, needs_layout_passes=False),
    )
    wall = gather(table, slab_map)

    expand = pl.pallas_call(
        _tc_expand_kernel,
        grid=(_NUM_HEADS,),
        in_specs=[pl.BlockSpec((1, _GRID, _SLAB_PAD), lambda h: (h, 0, 0))],
        out_specs=pl.BlockSpec((1, 1, _L, _L), lambda h: (0, h, 0, 0)),
        out_shape=jax.ShapeDtypeStruct((1, _NUM_HEADS, _L, _L), jnp.float32),
    )
    return expand(wall)

# --- scband reference (transcript-rebuilt; emitter-appended) ---
"""Pipeline reference for scband-i-rpe-65180423685334 (READ-ONLY COPY).

The authoritative reference and input builder live on the scoring server;
editing this copy changes nothing except your own understanding.
"""

import jax, jax.numpy as jnp
import numpy as np
import math

ALPHA, BETA, GAMMA = 1.9, 3.8, 15.2
NUM_HEADS, HEAD_DIM, NUM_BUCKETS = 16, 64, 49
BATCH, L = 8, 1024
HGT = WID = 32

def piecewise_index(rp, alpha=ALPHA, beta=BETA, gamma=GAMMA):
    rp = rp.astype(jnp.float32)
    rp_abs = jnp.abs(rp)
    mask = rp_abs <= alpha
    safe_abs = jnp.where(mask, 1.0, rp_abs)
    y = jnp.sign(rp) * jnp.minimum(jnp.round(alpha + jnp.log(safe_abs / alpha) / math.log(gamma / alpha) * (beta - alpha)), beta)
    idx = jnp.where(mask, jnp.round(rp), y)
    return idx.astype(jnp.int32)

def get_rp_bucket(height, width):
    # METHOD.PRODUCT bucket ids, skip == 0 since L == height*width
    pos = jnp.stack(jnp.meshgrid(jnp.arange(height), jnp.arange(width), indexing='ij'), axis=2)  # [h, w, 2]
    Ltot = height * width
    pos1 = pos.reshape(Ltot, 1, 2)
    pos2 = pos.reshape(1, Ltot, 2)
    diff = pos1 - pos2  # [L, L, 2]
    beta_int = int(BETA)
    S = 2 * beta_int + 1
    r = piecewise_index(diff[:, :, 0]) + beta_int
    c = piecewise_index(diff[:, :, 1]) + beta_int
    pid = r * S + c  # in [0, 48]
    return pid  # [L, L] int32

def setup_inputs(seed: int = 0) -> dict:
    key = jax.random.key(seed)
    k1, k2 = jax.random.split(key)
    x = jax.random.normal(k1, (BATCH, NUM_HEADS, L, HEAD_DIM), dtype=jnp.float32)
    # learned bias table (torch init is zeros with no-op initializer; use small random for a nontrivial reference)
    lookup_table_bias = jax.random.normal(k2, (NUM_HEADS, NUM_BUCKETS), dtype=jnp.float32) * 0.02
    return {"x": x, "lookup_table_bias": lookup_table_bias}

def reference(x, lookup_table_bias):
    # iRPE.forward, transposed=True, mode='bias'
    rp_bucket = get_rp_bucket(HGT, WID)  # [L, L]
    flat = rp_bucket.reshape(-1)
    out = jnp.take(lookup_table_bias, flat, axis=1).reshape(1, NUM_HEADS, L, L)
    return out

if __name__ == "__main__":
    import jax
    _d = setup_inputs()
    print(jax.jit(kernel)(*tuple(_d.values())))

</pallas_src>

<mosaic_0001>
#map = affine_map<(d0, d1) -> (0)>
#map1 = affine_map<(d0, d1) -> (0, 0, 0)>
module attributes {stable_mosaic.version = 14 : i64} {
  func.func @_sc_gather_kernel(%arg0: i32, %arg1: i32, %arg2: memref<784xf32, #tpu.memory_space<hbm>>, %arg3: memref<2x16x2048xi32, #tpu.memory_space<hbm>>, %arg4: memref<16x32x2048xf32, #tpu.memory_space<hbm>>, %arg5: memref<784xf32, #tpu.memory_space<vmem>>, %arg6: memref<16x2048xi32, #tpu.memory_space<vmem>>, %arg7: memref<16x2048xf32, #tpu.memory_space<vmem>>) attributes {dimension_semantics = [#tpu.dimension_semantics<core_parallel>, #tpu.dimension_semantics<subcore_parallel>], iteration_bounds = array<i64: 2, 16>, scalar_prefetch = 0 : i64, scratch_operands = 3 : i64, tpu.core_type = #tpu.core_type<sc_vector_subcore>, window_params = [{transform_indices = #map}, {transform_indices = #map1}, {transform_indices = #map1}]} {
    "tpu.region"() ({
      %run_scoped3A = tpu.sem_alloc : memref<!tpu.dma_semaphore, #tpu.memory_space<semaphore_mem>>
      tpu.enqueue_dma source(%arg2 : memref<784xf32, #tpu.memory_space<hbm>>) target(%arg5 : memref<784xf32, #tpu.memory_space<vmem>>) target_semaphore(%run_scoped3A : memref<!tpu.dma_semaphore, #tpu.memory_space<semaphore_mem>>)
      tpu.wait_dma2 semaphore(%run_scoped3A : memref<!tpu.dma_semaphore, #tpu.memory_space<semaphore_mem>>) src(%arg2 : memref<784xf32, #tpu.memory_space<hbm>>) dst(%arg5 : memref<784xf32, #tpu.memory_space<vmem>>)
      tpu.yield
    }) : () -> ()
    "tpu.region"() ({
      %run_scoped3A = tpu.sem_alloc : memref<!tpu.dma_semaphore, #tpu.memory_space<semaphore_mem>>
      %dma_start3A = arith.constant 0 : i32
      %dma_start3A_5 = arith.constant 0 : i32
      %dma_start3A_6 = tpu.memref_slice %arg3[%arg0, %dma_start3A, %dma_start3A_5] : memref<2x16x2048xi32, #tpu.memory_space<hbm>> -> memref<1x16x2048xi32, #tpu.memory_space<hbm>>
      %dma_start3A_7 = tpu.memref_squeeze %dma_start3A_6 : memref<1x16x2048xi32, #tpu.memory_space<hbm>> -> memref<16x2048xi32, #tpu.memory_space<hbm>>
      %dma_start3A_8 = arith.constant 0 : i32
      %dma_start3A_9 = arith.constant 0 : i32
      %dma_start3A_10 = tpu.memref_slice %arg3[%arg0, %dma_start3A_8, %dma_start3A_9] : memref<2x16x2048xi32, #tpu.memory_space<hbm>> -> memref<1x16x2048xi32, #tpu.memory_space<hbm>>
      %dma_start3A_11 = tpu.memref_squeeze %dma_start3A_10 : memref<1x16x2048xi32, #tpu.memory_space<hbm>> -> memref<16x2048xi32, #tpu.memory_space<hbm>>
      tpu.enqueue_dma source(%dma_start3A_11 : memref<16x2048xi32, #tpu.memory_space<hbm>>) target(%arg6 : memref<16x2048xi32, #tpu.memory_space<vmem>>) target_semaphore(%run_scoped3A : memref<!tpu.dma_semaphore, #tpu.memory_space<semaphore_mem>>)
      %dma_wait3A = arith.constant 0 : i32
      %dma_wait3A_12 = arith.constant 0 : i32
      %dma_wait3A_13 = tpu.memref_slice %arg3[%arg0, %dma_wait3A, %dma_wait3A_12] : memref<2x16x2048xi32, #tpu.memory_space<hbm>> -> memref<1x16x2048xi32, #tpu.memory_space<hbm>>
      %dma_wait3A_14 = tpu.memref_squeeze %dma_wait3A_13 : memref<1x16x2048xi32, #tpu.memory_space<hbm>> -> memref<16x2048xi32, #tpu.memory_space<hbm>>
      %dma_wait3A_15 = arith.constant 0 : i32
      %dma_wait3A_16 = arith.constant 0 : i32
      %dma_wait3A_17 = tpu.memref_slice %arg3[%arg0, %dma_wait3A_15, %dma_wait3A_16] : memref<2x16x2048xi32, #tpu.memory_space<hbm>> -> memref<1x16x2048xi32, #tpu.memory_space<hbm>>
      %dma_wait3A_18 = tpu.memref_squeeze %dma_wait3A_17 : memref<1x16x2048xi32, #tpu.memory_space<hbm>> -> memref<16x2048xi32, #tpu.memory_space<hbm>>
      tpu.wait_dma2 semaphore(%run_scoped3A : memref<!tpu.dma_semaphore, #tpu.memory_space<semaphore_mem>>) src(%dma_wait3A_18 : memref<16x2048xi32, #tpu.memory_space<hbm>>) dst(%arg6 : memref<16x2048xi32, #tpu.memory_space<vmem>>)
      tpu.yield
    }) : () -> ()
    %mul3A = arith.constant 49 : i32
    %mul3A_0 = arith.muli %arg1, %mul3A : i32
    %broadcast_in_dim3A = vector.broadcast %mul3A_0 : i32 to vector<16xi32>
    %parallel_loop3A = arith.constant 0 : i32
    %parallel_loop3A_1 = arith.constant 128 : i32
    %parallel_loop3A_2 = arith.constant 1 : i32
    scf.for %parallel_loop3A_5 = %parallel_loop3A to %parallel_loop3A_1 step %parallel_loop3A_2  : i32 {
      %parallel_loop3A_6 = arith.constant 16 : i32
      %parallel_loop3A_7 = arith.muli %parallel_loop3A_5, %parallel_loop3A_6 : i32
      %parallel_loop3A_8 = arith.constant 0 : i32
      %parallel_loop3A_9 = arith.index_cast %parallel_loop3A_8 : i32 to index
      %parallel_loop3A_10 = arith.index_cast %parallel_loop3A_7 : i32 to index
      %parallel_loop3A_11 = tpu.vector_load %arg6[%parallel_loop3A_9, %parallel_loop3A_10] {strides = array<i32>} : memref<16x2048xi32, #tpu.memory_space<vmem>>, vector<16xi32>,
      %parallel_loop3A_12 = arith.addi %parallel_loop3A_11, %broadcast_in_dim3A : vector<16xi32>
      %parallel_loop3A_13 = tpu.vector_load_idx %arg5[%parallel_loop3A_12] : memref<784xf32, #tpu.memory_space<vmem>>[vector<16xi32>], vector<16xf32>,
      %parallel_loop3A_14 = arith.constant 0 : i32
      %parallel_loop3A_15 = arith.index_cast %parallel_loop3A_14 : i32 to index
      %parallel_loop3A_16 = arith.index_cast %parallel_loop3A_7 : i32 to index
      %parallel_loop3A_17 = tpu.vector_load %arg7[%parallel_loop3A_15, %parallel_loop3A_16] {strides = array<i32>} : memref<16x2048xf32, #tpu.memory_space<vmem>>, vector<16xf32>,
      tpu.vector_store %arg7[%parallel_loop3A_15, %parallel_loop3A_16], %parallel_loop3A_13 {strides = array<i32>} : memref<16x2048xf32, #tpu.memory_space<vmem>>, vector<16xf32>,
      %parallel_loop3A_18 = arith.constant 1 : i32
      %parallel_loop3A_19 = arith.index_cast %parallel_loop3A_18 : i32 to index
      %parallel_loop3A_20 = arith.index_cast %parallel_loop3A_7 : i32 to index
      %parallel_loop3A_21 = tpu.vector_load %arg6[%parallel_loop3A_19, %parallel_loop3A_20] {strides = array<i32>} : memref<16x2048xi32, #tpu.memory_space<vmem>>, vector<16xi32>,
      %parallel_loop3A_22 = arith.addi %parallel_loop3A_21, %broadcast_in_dim3A : vector<16xi32>
      %parallel_loop3A_23 = tpu.vector_load_idx %arg5[%parallel_loop3A_22] : memref<784xf32, #tpu.memory_space<vmem>>[vector<16xi32>], vector<16xf32>,
      %parallel_loop3A_24 = arith.constant 1 : i32
      %parallel_loop3A_25 = arith.index_cast %parallel_loop3A_24 : i32 to index
      %parallel_loop3A_26 = arith.index_cast %parallel_loop3A_7 : i32 to index
      %parallel_loop3A_27 = tpu.vector_load %arg7[%parallel_loop3A_25, %parallel_loop3A_26] {strides = array<i32>} : memref<16x2048xf32, #tpu.memory_space<vmem>>, vector<16xf32>,
      tpu.vector_store %arg7[%parallel_loop3A_25, %parallel_loop3A_26], %parallel_loop3A_23 {strides = array<i32>} : memref<16x2048xf32, #tpu.memory_space<vmem>>, vector<16xf32>,
      %parallel_loop3A_28 = arith.constant 2 : i32
      %parallel_loop3A_29 = arith.index_cast %parallel_loop3A_28 : i32 to index
      %parallel_loop3A_30 = arith.index_cast %parallel_loop3A_7 : i32 to index
      %parallel_loop3A_31 = tpu.vector_load %arg6[%parallel_loop3A_29, %parallel_loop3A_30] {strides = array<i32>} : memref<16x2048xi32, #tpu.memory_space<vmem>>, vector<16xi32>,
      %parallel_loop3A_32 = arith.addi %parallel_loop3A_31, %broadcast_in_dim3A : vector<16xi32>
      %parallel_loop3A_33 = tpu.vector_load_idx %arg5[%parallel_loop3A_32] : memref<784xf32, #tpu.memory_space<vmem>>[vector<16xi32>], vector<16xf32>,
      %parallel_loop3A_34 = arith.constant 2 : i32
      %parallel_loop3A_35 = arith.index_cast %parallel_loop3A_34 : i32 to index
      %parallel_loop3A_36 = arith.index_cast %parallel_loop3A_7 : i32 to index
      %parallel_loop3A_37 = tpu.vector_load %arg7[%parallel_loop3A_35, %parallel_loop3A_36] {strides = array<i32>} : memref<16x2048xf32, #tpu.memory_space<vmem>>, vector<16xf32>,
      tpu.vector_store %arg7[%parallel_loop3A_35, %parallel_loop3A_36], %parallel_loop3A_33 {strides = array<i32>} : memref<16x2048xf32, #tpu.memory_space<vmem>>, vector<16xf32>,
      %parallel_loop3A_38 = arith.constant 3 : i32
      %parallel_loop3A_39 = arith.index_cast %parallel_loop3A_38 : i32 to index
      %parallel_loop3A_40 = arith.index_cast %parallel_loop3A_7 : i32 to index
      %parallel_loop3A_41 = tpu.vector_load %arg6[%parallel_loop3A_39, %parallel_loop3A_40] {strides = array<i32>} : memref<16x2048xi32, #tpu.memory_space<vmem>>, vector<16xi32>,
      %parallel_loop3A_42 = arith.addi %parallel_loop3A_41, %broadcast_in_dim3A : vector<16xi32>
      %parallel_loop3A_43 = tpu.vector_load_idx %arg5[%parallel_loop3A_42] : memref<784xf32, #tpu.memory_space<vmem>>[vector<16xi32>], vector<16xf32>,
      %parallel_loop3A_44 = arith.constant 3 : i32
      %parallel_loop3A_45 = arith.index_cast %parallel_loop3A_44 : i32 to index
      %parallel_loop3A_46 = arith.index_cast %parallel_loop3A_7 : i32 to index
      %parallel_loop3A_47 = tpu.vector_load %arg7[%parallel_loop3A_45, %parallel_loop3A_46] {strides = array<i32>} : memref<16x2048xf32, #tpu.memory_space<vmem>>, vector<16xf32>,
      tpu.vector_store %arg7[%parallel_loop3A_45, %parallel_loop3A_46], %parallel_loop3A_43 {strides = array<i32>} : memref<16x2048xf32, #tpu.memory_space<vmem>>, vector<16xf32>,
      %parallel_loop3A_48 = arith.constant 4 : i32
      %parallel_loop3A_49 = arith.index_cast %parallel_loop3A_48 : i32 to index
      %parallel_loop3A_50 = arith.index_cast %parallel_loop3A_7 : i32 to index
      %parallel_loop3A_51 = tpu.vector_load %arg6[%parallel_loop3A_49, %parallel_loop3A_50] {strides = array<i32>} : memref<16x2048xi32, #tpu.memory_space<vmem>>, vector<16xi32>,
      %parallel_loop3A_52 = arith.addi %parallel_loop3A_51, %broadcast_in_dim3A : vector<16xi32>
      %parallel_loop3A_53 = tpu.vector_load_idx %arg5[%parallel_loop3A_52] : memref<784xf32, #tpu.memory_space<vmem>>[vector<16xi32>], vector<16xf32>,
      %parallel_loop3A_54 = arith.constant 4 : i32
      %parallel_loop3A_55 = arith.index_cast %parallel_loop3A_54 : i32 to index
      %parallel_loop3A_56 = arith.index_cast %parallel_loop3A_7 : i32 to index
      %parallel_loop3A_57 = tpu.vector_load %arg7[%parallel_loop3A_55, %parallel_loop3A_56] {strides = array<i32>} : memref<16x2048xf32, #tpu.memory_space<vmem>>, vector<16xf32>,
      tpu.vector_store %arg7[%parallel_loop3A_55, %parallel_loop3A_56], %parallel_loop3A_53 {strides = array<i32>} : memref<16x2048xf32, #tpu.memory_space<vmem>>, vector<16xf32>,
      %parallel_loop3A_58 = arith.constant 5 : i32
      %parallel_loop3A_59 = arith.index_cast %parallel_loop3A_58 : i32 to index
      %parallel_loop3A_60 = arith.index_cast %parallel_loop3A_7 : i32 to index
      %parallel_loop3A_61 = tpu.vector_load %arg6[%parallel_loop3A_59, %parallel_loop3A_60] {strides = array<i32>} : memref<16x2048xi32, #tpu.memory_space<vmem>>, vector<16xi32>,
      %parallel_loop3A_62 = arith.addi %parallel_loop3A_61, %broadcast_in_dim3A : vector<16xi32>
      %parallel_loop3A_63 = tpu.vector_load_idx %arg5[%parallel_loop3A_62] : memref<784xf32, #tpu.memory_space<vmem>>[vector<16xi32>], vector<16xf32>,
      %parallel_loop3A_64 = arith.constant 5 : i32
      %parallel_loop3A_65 = arith.index_cast %parallel_loop3A_64 : i32 to index
      %parallel_loop3A_66 = arith.index_cast %parallel_loop3A_7 : i32 to index
      %parallel_loop3A_67 = tpu.vector_load %arg7[%parallel_loop3A_65, %parallel_loop3A_66] {strides = array<i32>} : memref<16x2048xf32, #tpu.memory_space<vmem>>, vector<16xf32>,
      tpu.vector_store %arg7[%parallel_loop3A_65, %parallel_loop3A_66], %parallel_loop3A_63 {strides = array<i32>} : memref<16x2048xf32, #tpu.memory_space<vmem>>, vector<16xf32>,
      %parallel_loop3A_68 = arith.constant 6 : i32
      %parallel_loop3A_69 = arith.index_cast %parallel_loop3A_68 : i32 to index
      %parallel_loop3A_70 = arith.index_cast %parallel_loop3A_7 : i32 to index
      %parallel_loop3A_71 = tpu.vector_load %arg6[%parallel_loop3A_69, %parallel_loop3A_70] {strides = array<i32>} : memref<16x2048xi32, #tpu.memory_space<vmem>>, vector<16xi32>,
      %parallel_loop3A_72 = arith.addi %parallel_loop3A_71, %broadcast_in_dim3A : vector<16xi32>
      %parallel_loop3A_73 = tpu.vector_load_idx %arg5[%parallel_loop3A_72] : memref<784xf32, #tpu.memory_space<vmem>>[vector<16xi32>], vector<16xf32>,
      %parallel_loop3A_74 = arith.constant 6 : i32
      %parallel_loop3A_75 = arith.index_cast %parallel_loop3A_74 : i32 to index
      %parallel_loop3A_76 = arith.index_cast %parallel_loop3A_7 : i32 to index
      %parallel_loop3A_77 = tpu.vector_load %arg7[%parallel_loop3A_75, %parallel_loop3A_76] {strides = array<i32>} : memref<16x2048xf32, #tpu.memory_space<vmem>>, vector<16xf32>,
      tpu.vector_store %arg7[%parallel_loop3A_75, %parallel_loop3A_76], %parallel_loop3A_73 {strides = array<i32>} : memref<16x2048xf32, #tpu.memory_space<vmem>>, vector<16xf32>,
      %parallel_loop3A_78 = arith.constant 7 : i32
      %parallel_loop3A_79 = arith.index_cast %parallel_loop3A_78 : i32 to index
      %parallel_loop3A_80 = arith.index_cast %parallel_loop3A_7 : i32 to index
      %parallel_loop3A_81 = tpu.vector_load %arg6[%parallel_loop3A_79, %parallel_loop3A_80] {strides = array<i32>} : memref<16x2048xi32, #tpu.memory_space<vmem>>, vector<16xi32>,
      %parallel_loop3A_82 = arith.addi %parallel_loop3A_81, %broadcast_in_dim3A : vector<16xi32>
      %parallel_loop3A_83 = tpu.vector_load_idx %arg5[%parallel_loop3A_82] : memref<784xf32, #tpu.memory_space<vmem>>[vector<16xi32>], vector<16xf32>,
      %parallel_loop3A_84 = arith.constant 7 : i32
      %parallel_loop3A_85 = arith.index_cast %parallel_loop3A_84 : i32 to index
      %parallel_loop3A_86 = arith.index_cast %parallel_loop3A_7 : i32 to index
      %parallel_loop3A_87 = tpu.vector_load %arg7[%parallel_loop3A_85, %parallel_loop3A_86] {strides = array<i32>} : memref<16x2048xf32, #tpu.memory_space<vmem>>, vector<16xf32>,
      tpu.vector_store %arg7[%parallel_loop3A_85, %parallel_loop3A_86], %parallel_loop3A_83 {strides = array<i32>} : memref<16x2048xf32, #tpu.memory_space<vmem>>, vector<16xf32>,
      %parallel_loop3A_88 = arith.constant 8 : i32
      %parallel_loop3A_89 = arith.index_cast %parallel_loop3A_88 : i32 to index
      %parallel_loop3A_90 = arith.index_cast %parallel_loop3A_7 : i32 to index
      %parallel_loop3A_91 = tpu.vector_load %arg6[%parallel_loop3A_89, %parallel_loop3A_90] {strides = array<i32>} : memref<16x2048xi32, #tpu.memory_space<vmem>>, vector<16xi32>,
      %parallel_loop3A_92 = arith.addi %parallel_loop3A_91, %broadcast_in_dim3A : vector<16xi32>
      %parallel_loop3A_93 = tpu.vector_load_idx %arg5[%parallel_loop3A_92] : memref<784xf32, #tpu.memory_space<vmem>>[vector<16xi32>], vector<16xf32>,
      %parallel_loop3A_94 = arith.constant 8 : i32
      %parallel_loop3A_95 = arith.index_cast %parallel_loop3A_94 : i32 to index
      %parallel_loop3A_96 = arith.index_cast %parallel_loop3A_7 : i32 to index
      %parallel_loop3A_97 = tpu.vector_load %arg7[%parallel_loop3A_95, %parallel_loop3A_96] {strides = array<i32>} : memref<16x2048xf32, #tpu.memory_space<vmem>>, vector<16xf32>,
      tpu.vector_store %arg7[%parallel_loop3A_95, %parallel_loop3A_96], %parallel_loop3A_93 {strides = array<i32>} : memref<16x2048xf32, #tpu.memory_space<vmem>>, vector<16xf32>,
      %parallel_loop3A_98 = arith.constant 9 : i32
      %parallel_loop3A_99 = arith.index_cast %parallel_loop3A_98 : i32 to index
      %parallel_loop3A_100 = arith.index_cast %parallel_loop3A_7 : i32 to index
      %parallel_loop3A_101 = tpu.vector_load %arg6[%parallel_loop3A_99, %parallel_loop3A_100] {strides = array<i32>} : memref<16x2048xi32, #tpu.memory_space<vmem>>, vector<16xi32>,
      %parallel_loop3A_102 = arith.addi %parallel_loop3A_101, %broadcast_in_dim3A : vector<16xi32>
      %parallel_loop3A_103 = tpu.vector_load_idx %arg5[%parallel_loop3A_102] : memref<784xf32, #tpu.memory_space<vmem>>[vector<16xi32>], vector<16xf32>,
      %parallel_loop3A_104 = arith.constant 9 : i32
      %parallel_loop3A_105 = arith.index_cast %parallel_loop3A_104 : i32 to index
      %parallel_loop3A_106 = arith.index_cast %parallel_loop3A_7 : i32 to index
      %parallel_loop3A_107 = tpu.vector_load %arg7[%parallel_loop3A_105, %parallel_loop3A_106] {strides = array<i32>} : memref<16x2048xf32, #tpu.memory_space<vmem>>, vector<16xf32>,
      tpu.vector_store %arg7[%parallel_loop3A_105, %parallel_loop3A_106], %parallel_loop3A_103 {strides = array<i32>} : memref<16x2048xf32, #tpu.memory_space<vmem>>, vector<16xf32>,
      %parallel_loop3A_108 = arith.constant 10 : i32
      %parallel_loop3A_109 = arith.index_cast %parallel_loop3A_108 : i32 to index
      %parallel_loop3A_110 = arith.index_cast %parallel_loop3A_7 : i32 to index
      %parallel_loop3A_111 = tpu.vector_load %arg6[%parallel_loop3A_109, %parallel_loop3A_110] {strides = array<i32>} : memref<16x2048xi32, #tpu.memory_space<vmem>>, vector<16xi32>,
      %parallel_loop3A_112 = arith.addi %parallel_loop3A_111, %broadcast_in_dim3A : vector<16xi32>
      %parallel_loop3A_113 = tpu.vector_load_idx %arg5[%parallel_loop3A_112] : memref<784xf32, #tpu.memory_space<vmem>>[vector<16xi32>], vector<16xf32>,
      %parallel_loop3A_114 = arith.constant 10 : i32
      %parallel_loop3A_115 = arith.index_cast %parallel_loop3A_114 : i32 to index
      %parallel_loop3A_116 = arith.index_cast %parallel_loop3A_7 : i32 to index
      %parallel_loop3A_117 = tpu.vector_load %arg7[%parallel_loop3A_115, %parallel_loop3A_116] {strides = array<i32>} : memref<16x2048xf32, #tpu.memory_space<vmem>>, vector<16xf32>,
      tpu.vector_store %arg7[%parallel_loop3A_115, %parallel_loop3A_116], %parallel_loop3A_113 {strides = array<i32>} : memref<16x2048xf32, #tpu.memory_space<vmem>>, vector<16xf32>,
      %parallel_loop3A_118 = arith.constant 11 : i32
      %parallel_loop3A_119 = arith.index_cast %parallel_loop3A_118 : i32 to index
      %parallel_loop3A_120 = arith.index_cast %parallel_loop3A_7 : i32 to index
      %parallel_loop3A_121 = tpu.vector_load %arg6[%parallel_loop3A_119, %parallel_loop3A_120] {strides = array<i32>} : memref<16x2048xi32, #tpu.memory_space<vmem>>, vector<16xi32>,
      %parallel_loop3A_122 = arith.addi %parallel_loop3A_121, %broadcast_in_dim3A : vector<16xi32>
      %parallel_loop3A_123 = tpu.vector_load_idx %arg5[%parallel_loop3A_122] : memref<784xf32, #tpu.memory_space<vmem>>[vector<16xi32>], vector<16xf32>,
      %parallel_loop3A_124 = arith.constant 11 : i32
      %parallel_loop3A_125 = arith.index_cast %parallel_loop3A_124 : i32 to index
      %parallel_loop3A_126 = arith.index_cast %parallel_loop3A_7 : i32 to index
      %parallel_loop3A_127 = tpu.vector_load %arg7[%parallel_loop3A_125, %parallel_loop3A_126] {strides = array<i32>} : memref<16x2048xf32, #tpu.memory_space<vmem>>, vector<16xf32>,
      tpu.vector_store %arg7[%parallel_loop3A_125, %parallel_loop3A_126], %parallel_loop3A_123 {strides = array<i32>} : memref<16x2048xf32, #tpu.memory_space<vmem>>, vector<16xf32>,
      %parallel_loop3A_128 = arith.constant 12 : i32
      %parallel_loop3A_129 = arith.index_cast %parallel_loop3A_128 : i32 to index
      %parallel_loop3A_130 = arith.index_cast %parallel_loop3A_7 : i32 to index
      %parallel_loop3A_131 = tpu.vector_load %arg6[%parallel_loop3A_129, %parallel_loop3A_130] {strides = array<i32>} : memref<16x2048xi32, #tpu.memory_space<vmem>>, vector<16xi32>,
      %parallel_loop3A_132 = arith.addi %parallel_loop3A_131, %broadcast_in_dim3A : vector<16xi32>
      %parallel_loop3A_133 = tpu.vector_load_idx %arg5[%parallel_loop3A_132] : memref<784xf32, #tpu.memory_space<vmem>>[vector<16xi32>], vector<16xf32>,
      %parallel_loop3A_134 = arith.constant 12 : i32
      %parallel_loop3A_135 = arith.index_cast %parallel_loop3A_134 : i32 to index
      %parallel_loop3A_136 = arith.index_cast %parallel_loop3A_7 : i32 to index
      %parallel_loop3A_137 = tpu.vector_load %arg7[%parallel_loop3A_135, %parallel_loop3A_136] {strides = array<i32>} : memref<16x2048xf32, #tpu.memory_space<vmem>>, vector<16xf32>,
      tpu.vector_store %arg7[%parallel_loop3A_135, %parallel_loop3A_136], %parallel_loop3A_133 {strides = array<i32>} : memref<16x2048xf32, #tpu.memory_space<vmem>>, vector<16xf32>,
      %parallel_loop3A_138 = arith.constant 13 : i32
      %parallel_loop3A_139 = arith.index_cast %parallel_loop3A_138 : i32 to index
      %parallel_loop3A_140 = arith.index_cast %parallel_loop3A_7 : i32 to index
      %parallel_loop3A_141 = tpu.vector_load %arg6[%parallel_loop3A_139, %parallel_loop3A_140] {strides = array<i32>} : memref<16x2048xi32, #tpu.memory_space<vmem>>, vector<16xi32>,
      %parallel_loop3A_142 = arith.addi %parallel_loop3A_141, %broadcast_in_dim3A : vector<16xi32>
      %parallel_loop3A_143 = tpu.vector_load_idx %arg5[%parallel_loop3A_142] : memref<784xf32, #tpu.memory_space<vmem>>[vector<16xi32>], vector<16xf32>,
      %parallel_loop3A_144 = arith.constant 13 : i32
      %parallel_loop3A_145 = arith.index_cast %parallel_loop3A_144 : i32 to index
      %parallel_loop3A_146 = arith.index_cast %parallel_loop3A_7 : i32 to index
      %parallel_loop3A_147 = tpu.vector_load %arg7[%parallel_loop3A_145, %parallel_loop3A_146] {strides = array<i32>} : memref<16x2048xf32, #tpu.memory_space<vmem>>, vector<16xf32>,
      tpu.vector_store %arg7[%parallel_loop3A_145, %parallel_loop3A_146], %parallel_loop3A_143 {strides = array<i32>} : memref<16x2048xf32, #tpu.memory_space<vmem>>, vector<16xf32>,
      %parallel_loop3A_148 = arith.constant 14 : i32
      %parallel_loop3A_149 = arith.index_cast %parallel_loop3A_148 : i32 to index
      %parallel_loop3A_150 = arith.index_cast %parallel_loop3A_7 : i32 to index
      %parallel_loop3A_151 = tpu.vector_load %arg6[%parallel_loop3A_149, %parallel_loop3A_150] {strides = array<i32>} : memref<16x2048xi32, #tpu.memory_space<vmem>>, vector<16xi32>,
      %parallel_loop3A_152 = arith.addi %parallel_loop3A_151, %broadcast_in_dim3A : vector<16xi32>
      %parallel_loop3A_153 = tpu.vector_load_idx %arg5[%parallel_loop3A_152] : memref<784xf32, #tpu.memory_space<vmem>>[vector<16xi32>], vector<16xf32>,
      %parallel_loop3A_154 = arith.constant 14 : i32
      %parallel_loop3A_155 = arith.index_cast %parallel_loop3A_154 : i32 to index
      %parallel_loop3A_156 = arith.index_cast %parallel_loop3A_7 : i32 to index
      %parallel_loop3A_157 = tpu.vector_load %arg7[%parallel_loop3A_155, %parallel_loop3A_156] {strides = array<i32>} : memref<16x2048xf32, #tpu.memory_space<vmem>>, vector<16xf32>,
      tpu.vector_store %arg7[%parallel_loop3A_155, %parallel_loop3A_156], %parallel_loop3A_153 {strides = array<i32>} : memref<16x2048xf32, #tpu.memory_space<vmem>>, vector<16xf32>,
      %parallel_loop3A_158 = arith.constant 15 : i32
      %parallel_loop3A_159 = arith.index_cast %parallel_loop3A_158 : i32 to index
      %parallel_loop3A_160 = arith.index_cast %parallel_loop3A_7 : i32 to index
      %parallel_loop3A_161 = tpu.vector_load %arg6[%parallel_loop3A_159, %parallel_loop3A_160] {strides = array<i32>} : memref<16x2048xi32, #tpu.memory_space<vmem>>, vector<16xi32>,
      %parallel_loop3A_162 = arith.addi %parallel_loop3A_161, %broadcast_in_dim3A : vector<16xi32>
      %parallel_loop3A_163 = tpu.vector_load_idx %arg5[%parallel_loop3A_162] : memref<784xf32, #tpu.memory_space<vmem>>[vector<16xi32>], vector<16xf32>,
      %parallel_loop3A_164 = arith.constant 15 : i32
      %parallel_loop3A_165 = arith.index_cast %parallel_loop3A_164 : i32 to index
      %parallel_loop3A_166 = arith.index_cast %parallel_loop3A_7 : i32 to index
      %parallel_loop3A_167 = tpu.vector_load %arg7[%parallel_loop3A_165, %parallel_loop3A_166] {strides = array<i32>} : memref<16x2048xf32, #tpu.memory_space<vmem>>, vector<16xf32>,
      tpu.vector_store %arg7[%parallel_loop3A_165, %parallel_loop3A_166], %parallel_loop3A_163 {strides = array<i32>} : memref<16x2048xf32, #tpu.memory_space<vmem>>, vector<16xf32>,
    } {sc.loop_unroll_factor = 4 : i64, sc.parallel_access}
    %mul3A_3 = arith.constant 16 : i32
    %mul3A_4 = arith.muli %arg0, %mul3A_3 : i32
    "tpu.region"() ({
      %run_scoped3A = tpu.sem_alloc : memref<!tpu.dma_semaphore, #tpu.memory_space<semaphore_mem>>
      %dma_start3A = arith.constant 0 : i32
      %dma_start3A_5 = tpu.memref_slice %arg4[%arg1, %mul3A_4, %dma_start3A] : memref<16x32x2048xf32, #tpu.memory_space<hbm>> -> memref<1x16x2048xf32, #tpu.memory_space<hbm>>
      %dma_start3A_6 = tpu.memref_squeeze %dma_start3A_5 : memref<1x16x2048xf32, #tpu.memory_space<hbm>> -> memref<16x2048xf32, #tpu.memory_space<hbm>>
      %dma_start3A_7 = arith.constant 0 : i32
      %dma_start3A_8 = tpu.memref_slice %arg4[%arg1, %mul3A_4, %dma_start3A_7] : memref<16x32x2048xf32, #tpu.memory_space<hbm>> -> memref<1x16x2048xf32, #tpu.memory_space<hbm>>
      %dma_start3A_9 = tpu.memref_squeeze %dma_start3A_8 : memref<1x16x2048xf32, #tpu.memory_space<hbm>> -> memref<16x2048xf32, #tpu.memory_space<hbm>>
      tpu.enqueue_dma source(%arg7 : memref<16x2048xf32, #tpu.memory_space<vmem>>) target(%dma_start3A_9 : memref<16x2048xf32, #tpu.memory_space<hbm>>) target_semaphore(%run_scoped3A : memref<!tpu.dma_semaphore, #tpu.memory_space<semaphore_mem>>)
      %dma_wait3A = arith.constant 0 : i32
      %dma_wait3A_10 = tpu.memref_slice %arg4[%arg1, %mul3A_4, %dma_wait3A] : memref<16x32x2048xf32, #tpu.memory_space<hbm>> -> memref<1x16x2048xf32, #tpu.memory_space<hbm>>
      %dma_wait3A_11 = tpu.memref_squeeze %dma_wait3A_10 : memref<1x16x2048xf32, #tpu.memory_space<hbm>> -> memref<16x2048xf32, #tpu.memory_space<hbm>>
      %dma_wait3A_12 = arith.constant 0 : i32
      %dma_wait3A_13 = tpu.memref_slice %arg4[%arg1, %mul3A_4, %dma_wait3A_12] : memref<16x32x2048xf32, #tpu.memory_space<hbm>> -> memref<1x16x2048xf32, #tpu.memory_space<hbm>>
      %dma_wait3A_14 = tpu.memref_squeeze %dma_wait3A_13 : memref<1x16x2048xf32, #tpu.memory_space<hbm>> -> memref<16x2048xf32, #tpu.memory_space<hbm>>
      tpu.wait_dma2 semaphore(%run_scoped3A : memref<!tpu.dma_semaphore, #tpu.memory_space<semaphore_mem>>) src(%arg7 : memref<16x2048xf32, #tpu.memory_space<vmem>>) dst(%dma_wait3A_14 : memref<16x2048xf32, #tpu.memory_space<hbm>>)
      tpu.yield
    }) : () -> ()
    return
  }
}

module attributes {stable_mosaic.version = 14 : i64} {
  func.func @_tc_expand_kernel(%arg0: i32, %arg1: memref<1x32x2048xf32, #tpu.memory_space<vmem>>, %arg2: memref<1x1x1024x1024xf32, #tpu.memory_space<vmem>>) attributes {dimension_semantics = [#tpu.dimension_semantics<arbitrary>], iteration_bounds = array<i64: 16>, scalar_prefetch = 0 : i64, scratch_operands = 0 : i64, tpu.core_type = #tpu.core_type<tc>, window_params = [{transform_indices = @transform_0, window_bounds = array<i64: 1, 32, 2048>}, {transform_indices = @transform_1, window_bounds = array<i64: 1, 1, 1024, 1024>}]} {
    %get3A = arith.constant 0 : index
    %get3A_0 = arith.constant 0 : index
    %get3A_1 = arith.constant 0 : index
    %get3A_2 = vector.load %arg1[%get3A, %get3A_0, %get3A_1] : memref<1x32x2048xf32, #tpu.memory_space<vmem>>, vector<1x32x2048xf32>
    %get3A_3 = vector.shape_cast %get3A_2 : vector<1x32x2048xf32> to vector<32x2048xf32>
    %slice3A = vector.extract_strided_slice %get3A_3 {offsets = [0, 992], sizes = [32, 1024], strides = [1, 1]} : vector<32x2048xf32> to vector<32x1024xf32>
    %swap3A = arith.constant 0 : index
    %swap3A_4 = arith.constant 0 : index
    %swap3A_5 = arith.constant 0 : index
    %swap3A_6 = arith.constant 0 : index
    %swap3A_7 = vector.load %arg2[%swap3A, %swap3A_4, %swap3A_5, %swap3A_6] : memref<1x1x1024x1024xf32, #tpu.memory_space<vmem>>, vector<1x1x32x1024xf32>
    %swap3A_8 = vector.shape_cast %swap3A_7 : vector<1x1x32x1024xf32> to vector<32x1024xf32>
    %swap3A_9 = vector.shape_cast %slice3A : vector<32x1024xf32> to vector<1x1x32x1024xf32>
    tpu.vector_store %arg2[%swap3A, %swap3A_4, %swap3A_5, %swap3A_6], %swap3A_9 {strides = array<i32>} : memref<1x1x1024x1024xf32, #tpu.memory_space<vmem>>, vector<1x1x32x1024xf32>,
    %slice3A_10 = vector.extract_strided_slice %get3A_3 {offsets = [0, 960], sizes = [32, 1024], strides = [1, 1]} : vector<32x2048xf32> to vector<32x1024xf32>
    %swap3A_11 = arith.constant 0 : index
    %swap3A_12 = arith.constant 0 : index
    %swap3A_13 = arith.constant 32 : index
    %swap3A_14 = arith.constant 0 : index
    %swap3A_15 = vector.load %arg2[%swap3A_11, %swap3A_12, %swap3A_13, %swap3A_14] : memref<1x1x1024x1024xf32, #tpu.memory_space<vmem>>, vector<1x1x32x1024xf32>
    %swap3A_16 = vector.shape_cast %swap3A_15 : vector<1x1x32x1024xf32> to vector<32x1024xf32>
    %swap3A_17 = vector.shape_cast %slice3A_10 : vector<32x1024xf32> to vector<1x1x32x1024xf32>
    tpu.vector_store %arg2[%swap3A_11, %swap3A_12, %swap3A_13, %swap3A_14], %swap3A_17 {strides = array<i32>} : memref<1x1x1024x1024xf32, #tpu.memory_space<vmem>>, vector<1x1x32x1024xf32>,
    %slice3A_18 = vector.extract_strided_slice %get3A_3 {offsets = [0, 928], sizes = [32, 1024], strides = [1, 1]} : vector<32x2048xf32> to vector<32x1024xf32>
    %swap3A_19 = arith.constant 0 : index
    %swap3A_20 = arith.constant 0 : index
    %swap3A_21 = arith.constant 64 : index
    %swap3A_22 = arith.constant 0 : index
    %swap3A_23 = vector.load %arg2[%swap3A_19, %swap3A_20, %swap3A_21, %swap3A_22] : memref<1x1x1024x1024xf32, #tpu.memory_space<vmem>>, vector<1x1x32x1024xf32>
    %swap3A_24 = vector.shape_cast %swap3A_23 : vector<1x1x32x1024xf32> to vector<32x1024xf32>
    %swap3A_25 = vector.shape_cast %slice3A_18 : vector<32x1024xf32> to vector<1x1x32x1024xf32>
    tpu.vector_store %arg2[%swap3A_19, %swap3A_20, %swap3A_21, %swap3A_22], %swap3A_25 {strides = array<i32>} : memref<1x1x1024x1024xf32, #tpu.memory_space<vmem>>, vector<1x1x32x1024xf32>,
    %slice3A_26 = vector.extract_strided_slice %get3A_3 {offsets = [0, 896], sizes = [32, 1024], strides = [1, 1]} : vector<32x2048xf32> to vector<32x1024xf32>
    %swap3A_27 = arith.constant 0 : index
    %swap3A_28 = arith.constant 0 : index
    %swap3A_29 = arith.constant 96 : index
    %swap3A_30 = arith.constant 0 : index
    %swap3A_31 = vector.load %arg2[%swap3A_27, %swap3A_28, %swap3A_29, %swap3A_30] : memref<1x1x1024x1024xf32, #tpu.memory_space<vmem>>, vector<1x1x32x1024xf32>
    %swap3A_32 = vector.shape_cast %swap3A_31 : vector<1x1x32x1024xf32> to vector<32x1024xf32>
    %swap3A_33 = vector.shape_cast %slice3A_26 : vector<32x1024xf32> to vector<1x1x32x1024xf32>
    tpu.vector_store %arg2[%swap3A_27, %swap3A_28, %swap3A_29, %swap3A_30], %swap3A_33 {strides = array<i32>} : memref<1x1x1024x1024xf32, #tpu.memory_space<vmem>>, vector<1x1x32x1024xf32>,
    %slice3A_34 = vector.extract_strided_slice %get3A_3 {offsets = [0, 864], sizes = [32, 1024], strides = [1, 1]} : vector<32x2048xf32> to vector<32x1024xf32>
    %swap3A_35 = arith.constant 0 : index
    %swap3A_36 = arith.constant 0 : index
    %swap3A_37 = arith.constant 128 : index
    %swap3A_38 = arith.constant 0 : index
    %swap3A_39 = vector.load %arg2[%swap3A_35, %swap3A_36, %swap3A_37, %swap3A_38] : memref<1x1x1024x1024xf32, #tpu.memory_space<vmem>>, vector<1x1x32x1024xf32>
    %swap3A_40 = vector.shape_cast %swap3A_39 : vector<1x1x32x1024xf32> to vector<32x1024xf32>
    %swap3A_41 = vector.shape_cast %slice3A_34 : vector<32x1024xf32> to vector<1x1x32x1024xf32>
    tpu.vector_store %arg2[%swap3A_35, %swap3A_36, %swap3A_37, %swap3A_38], %swap3A_41 {strides = array<i32>} : memref<1x1x1024x1024xf32, #tpu.memory_space<vmem>>, vector<1x1x32x1024xf32>,
    %slice3A_42 = vector.extract_strided_slice %get3A_3 {offsets = [0, 832], sizes = [32, 1024], strides = [1, 1]} : vector<32x2048xf32> to vector<32x1024xf32>
    %swap3A_43 = arith.constant 0 : index
    %swap3A_44 = arith.constant 0 : index
    %swap3A_45 = arith.constant 160 : index
    %swap3A_46 = arith.constant 0 : index
    %swap3A_47 = vector.load %arg2[%swap3A_43, %swap3A_44, %swap3A_45, %swap3A_46] : memref<1x1x1024x1024xf32, #tpu.memory_space<vmem>>, vector<1x1x32x1024xf32>
    %swap3A_48 = vector.shape_cast %swap3A_47 : vector<1x1x32x1024xf32> to vector<32x1024xf32>
    %swap3A_49 = vector.shape_cast %slice3A_42 : vector<32x1024xf32> to vector<1x1x32x1024xf32>
    tpu.vector_store %arg2[%swap3A_43, %swap3A_44, %swap3A_45, %swap3A_46], %swap3A_49 {strides = array<i32>} : memref<1x1x1024x1024xf32, #tpu.memory_space<vmem>>, vector<1x1x32x1024xf32>,
    %slice3A_50 = vector.extract_strided_slice %get3A_3 {offsets = [0, 800], sizes = [32, 1024], strides = [1, 1]} : vector<32x2048xf32> to vector<32x1024xf32>
    %swap3A_51 = arith.constant 0 : index
    %swap3A_52 = arith.constant 0 : index
    %swap3A_53 = arith.constant 192 : index
    %swap3A_54 = arith.constant 0 : index
    %swap3A_55 = vector.load %arg2[%swap3A_51, %swap3A_52, %swap3A_53, %swap3A_54] : memref<1x1x1024x1024xf32, #tpu.memory_space<vmem>>, vector<1x1x32x1024xf32>
    %swap3A_56 = vector.shape_cast %swap3A_55 : vector<1x1x32x1024xf32> to vector<32x1024xf32>
    %swap3A_57 = vector.shape_cast %slice3A_50 : vector<32x1024xf32> to vector<1x1x32x1024xf32>
    tpu.vector_store %arg2[%swap3A_51, %swap3A_52, %swap3A_53, %swap3A_54], %swap3A_57 {strides = array<i32>} : memref<1x1x1024x1024xf32, #tpu.memory_space<vmem>>, vector<1x1x32x1024xf32>,
    %slice3A_58 = vector.extract_strided_slice %get3A_3 {offsets = [0, 768], sizes = [32, 1024], strides = [1, 1]} : vector<32x2048xf32> to vector<32x1024xf32>
    %swap3A_59 = arith.constant 0 : index
    %swap3A_60 = arith.constant 0 : index
    %swap3A_61 = arith.constant 224 : index
    %swap3A_62 = arith.constant 0 : index
    %swap3A_63 = vector.load %arg2[%swap3A_59, %swap3A_60, %swap3A_61, %swap3A_62] : memref<1x1x1024x1024xf32, #tpu.memory_space<vmem>>, vector<1x1x32x1024xf32>
    %swap3A_64 = vector.shape_cast %swap3A_63 : vector<1x1x32x1024xf32> to vector<32x1024xf32>
    %swap3A_65 = vector.shape_cast %slice3A_58 : vector<32x1024xf32> to vector<1x1x32x1024xf32>
    tpu.vector_store %arg2[%swap3A_59, %swap3A_60, %swap3A_61, %swap3A_62], %swap3A_65 {strides = array<i32>} : memref<1x1x1024x1024xf32, #tpu.memory_space<vmem>>, vector<1x1x32x1024xf32>,
    %slice3A_66 = vector.extract_strided_slice %get3A_3 {offsets = [0, 736], sizes = [32, 1024], strides = [1, 1]} : vector<32x2048xf32> to vector<32x1024xf32>
    %swap3A_67 = arith.constant 0 : index
    %swap3A_68 = arith.constant 0 : index
    %swap3A_69 = arith.constant 256 : index
    %swap3A_70 = arith.constant 0 : index
    %swap3A_71 = vector.load %arg2[%swap3A_67, %swap3A_68, %swap3A_69, %swap3A_70] : memref<1x1x1024x1024xf32, #tpu.memory_space<vmem>>, vector<1x1x32x1024xf32>
    %swap3A_72 = vector.shape_cast %swap3A_71 : vector<1x1x32x1024xf32> to vector<32x1024xf32>
    %swap3A_73 = vector.shape_cast %slice3A_66 : vector<32x1024xf32> to vector<1x1x32x1024xf32>
    tpu.vector_store %arg2[%swap3A_67, %swap3A_68, %swap3A_69, %swap3A_70], %swap3A_73 {strides = array<i32>} : memref<1x1x1024x1024xf32, #tpu.memory_space<vmem>>, vector<1x1x32x1024xf32>,
    %slice3A_74 = vector.extract_strided_slice %get3A_3 {offsets = [0, 704], sizes = [32, 1024], strides = [1, 1]} : vector<32x2048xf32> to vector<32x1024xf32>
    %swap3A_75 = arith.constant 0 : index
    %swap3A_76 = arith.constant 0 : index
    %swap3A_77 = arith.constant 288 : index
    %swap3A_78 = arith.constant 0 : index
    %swap3A_79 = vector.load %arg2[%swap3A_75, %swap3A_76, %swap3A_77, %swap3A_78] : memref<1x1x1024x1024xf32, #tpu.memory_space<vmem>>, vector<1x1x32x1024xf32>
    %swap3A_80 = vector.shape_cast %swap3A_79 : vector<1x1x32x1024xf32> to vector<32x1024xf32>
    %swap3A_81 = vector.shape_cast %slice3A_74 : vector<32x1024xf32> to vector<1x1x32x1024xf32>
    tpu.vector_store %arg2[%swap3A_75, %swap3A_76, %swap3A_77, %swap3A_78], %swap3A_81 {strides = array<i32>} : memref<1x1x1024x1024xf32, #tpu.memory_space<vmem>>, vector<1x1x32x1024xf32>,
    %slice3A_82 = vector.extract_strided_slice %get3A_3 {offsets = [0, 672], sizes = [32, 1024], strides = [1, 1]} : vector<32x2048xf32> to vector<32x1024xf32>
    %swap3A_83 = arith.constant 0 : index
    %swap3A_84 = arith.constant 0 : index
    %swap3A_85 = arith.constant 320 : index
    %swap3A_86 = arith.constant 0 : index
    %swap3A_87 = vector.load %arg2[%swap3A_83, %swap3A_84, %swap3A_85, %swap3A_86] : memref<1x1x1024x1024xf32, #tpu.memory_space<vmem>>, vector<1x1x32x1024xf32>
    %swap3A_88 = vector.shape_cast %swap3A_87 : vector<1x1x32x1024xf32> to vector<32x1024xf32>
    %swap3A_89 = vector.shape_cast %slice3A_82 : vector<32x1024xf32> to vector<1x1x32x1024xf32>
    tpu.vector_store %arg2[%swap3A_83, %swap3A_84, %swap3A_85, %swap3A_86], %swap3A_89 {strides = array<i32>} : memref<1x1x1024x1024xf32, #tpu.memory_space<vmem>>, vector<1x1x32x1024xf32>,
    %slice3A_90 = vector.extract_strided_slice %get3A_3 {offsets = [0, 640], sizes = [32, 1024], strides = [1, 1]} : vector<32x2048xf32> to vector<32x1024xf32>
    %swap3A_91 = arith.constant 0 : index
    %swap3A_92 = arith.constant 0 : index
    %swap3A_93 = arith.constant 352 : index
    %swap3A_94 = arith.constant 0 : index
    %swap3A_95 = vector.load %arg2[%swap3A_91, %swap3A_92, %swap3A_93, %swap3A_94] : memref<1x1x1024x1024xf32, #tpu.memory_space<vmem>>, vector<1x1x32x1024xf32>
    %swap3A_96 = vector.shape_cast %swap3A_95 : vector<1x1x32x1024xf32> to vector<32x1024xf32>
    %swap3A_97 = vector.shape_cast %slice3A_90 : vector<32x1024xf32> to vector<1x1x32x1024xf32>
    tpu.vector_store %arg2[%swap3A_91, %swap3A_92, %swap3A_93, %swap3A_94], %swap3A_97 {strides = array<i32>} : memref<1x1x1024x1024xf32, #tpu.memory_space<vmem>>, vector<1x1x32x1024xf32>,
    %slice3A_98 = vector.extract_strided_slice %get3A_3 {offsets = [0, 608], sizes = [32, 1024], strides = [1, 1]} : vector<32x2048xf32> to vector<32x1024xf32>
    %swap3A_99 = arith.constant 0 : index
    %swap3A_100 = arith.constant 0 : index
    %swap3A_101 = arith.constant 384 : index
    %swap3A_102 = arith.constant 0 : index
    %swap3A_103 = vector.load %arg2[%swap3A_99, %swap3A_100, %swap3A_101, %swap3A_102] : memref<1x1x1024x1024xf32, #tpu.memory_space<vmem>>, vector<1x1x32x1024xf32>
    %swap3A_104 = vector.shape_cast %swap3A_103 : vector<1x1x32x1024xf32> to vector<32x1024xf32>
    %swap3A_105 = vector.shape_cast %slice3A_98 : vector<32x1024xf32> to vector<1x1x32x1024xf32>
    tpu.vector_store %arg2[%swap3A_99, %swap3A_100, %swap3A_101, %swap3A_102], %swap3A_105 {strides = array<i32>} : memref<1x1x1024x1024xf32, #tpu.memory_space<vmem>>, vector<1x1x32x1024xf32>,
    %slice3A_106 = vector.extract_strided_slice %get3A_3 {offsets = [0, 576], sizes = [32, 1024], strides = [1, 1]} : vector<32x2048xf32> to vector<32x1024xf32>
    %swap3A_107 = arith.constant 0 : index
    %swap3A_108 = arith.constant 0 : index
    %swap3A_109 = arith.constant 416 : index
    %swap3A_110 = arith.constant 0 : index
    %swap3A_111 = vector.load %arg2[%swap3A_107, %swap3A_108, %swap3A_109, %swap3A_110] : memref<1x1x1024x1024xf32, #tpu.memory_space<vmem>>, vector<1x1x32x1024xf32>
    %swap3A_112 = vector.shape_cast %swap3A_111 : vector<1x1x32x1024xf32> to vector<32x1024xf32>
    %swap3A_113 = vector.shape_cast %slice3A_106 : vector<32x1024xf32> to vector<1x1x32x1024xf32>
    tpu.vector_store %arg2[%swap3A_107, %swap3A_108, %swap3A_109, %swap3A_110], %swap3A_113 {strides = array<i32>} : memref<1x1x1024x1024xf32, #tpu.memory_space<vmem>>, vector<1x1x32x1024xf32>,
    %slice3A_114 = vector.extract_strided_slice %get3A_3 {offsets = [0, 544], sizes = [32, 1024], strides = [1, 1]} : vector<32x2048xf32> to vector<32x1024xf32>
    %swap3A_115 = arith.constant 0 : index
    %swap3A_116 = arith.constant 0 : index
    %swap3A_117 = arith.constant 448 : index
    %swap3A_118 = arith.constant 0 : index
    %swap3A_119 = vector.load %arg2[%swap3A_115, %swap3A_116, %swap3A_117, %swap3A_118] : memref<1x1x1024x1024xf32, #tpu.memory_space<vmem>>, vector<1x1x32x1024xf32>
    %swap3A_120 = vector.shape_cast %swap3A_119 : vector<1x1x32x1024xf32> to vector<32x1024xf32>
    %swap3A_121 = vector.shape_cast %slice3A_114 : vector<32x1024xf32> to vector<1x1x32x1024xf32>
    tpu.vector_store %arg2[%swap3A_115, %swap3A_116, %swap3A_117, %swap3A_118], %swap3A_121 {strides = array<i32>} : memref<1x1x1024x1024xf32, #tpu.memory_space<vmem>>, vector<1x1x32x1024xf32>,
    %slice3A_122 = vector.extract_strided_slice %get3A_3 {offsets = [0, 512], sizes = [32, 1024], strides = [1, 1]} : vector<32x2048xf32> to vector<32x1024xf32>
    %swap3A_123 = arith.constant 0 : index
    %swap3A_124 = arith.constant 0 : index
    %swap3A_125 = arith.constant 480 : index
    %swap3A_126 = arith.constant 0 : index
    %swap3A_127 = vector.load %arg2[%swap3A_123, %swap3A_124, %swap3A_125, %swap3A_126] : memref<1x1x1024x1024xf32, #tpu.memory_space<vmem>>, vector<1x1x32x1024xf32>
    %swap3A_128 = vector.shape_cast %swap3A_127 : vector<1x1x32x1024xf32> to vector<32x1024xf32>
    %swap3A_129 = vector.shape_cast %slice3A_122 : vector<32x1024xf32> to vector<1x1x32x1024xf32>
    tpu.vector_store %arg2[%swap3A_123, %swap3A_124, %swap3A_125, %swap3A_126], %swap3A_129 {strides = array<i32>} : memref<1x1x1024x1024xf32, #tpu.memory_space<vmem>>, vector<1x1x32x1024xf32>,
    %slice3A_130 = vector.extract_strided_slice %get3A_3 {offsets = [0, 480], sizes = [32, 1024], strides = [1, 1]} : vector<32x2048xf32> to vector<32x1024xf32>
    %swap3A_131 = arith.constant 0 : index
    %swap3A_132 = arith.constant 0 : index
    %swap3A_133 = arith.constant 512 : index
    %swap3A_134 = arith.constant 0 : index
    %swap3A_135 = vector.load %arg2[%swap3A_131, %swap3A_132, %swap3A_133, %swap3A_134] : memref<1x1x1024x1024xf32, #tpu.memory_space<vmem>>, vector<1x1x32x1024xf32>
    %swap3A_136 = vector.shape_cast %swap3A_135 : vector<1x1x32x1024xf32> to vector<32x1024xf32>
    %swap3A_137 = vector.shape_cast %slice3A_130 : vector<32x1024xf32> to vector<1x1x32x1024xf32>
    tpu.vector_store %arg2[%swap3A_131, %swap3A_132, %swap3A_133, %swap3A_134], %swap3A_137 {strides = array<i32>} : memref<1x1x1024x1024xf32, #tpu.memory_space<vmem>>, vector<1x1x32x1024xf32>,
    %slice3A_138 = vector.extract_strided_slice %get3A_3 {offsets = [0, 448], sizes = [32, 1024], strides = [1, 1]} : vector<32x2048xf32> to vector<32x1024xf32>
    %swap3A_139 = arith.constant 0 : index
    %swap3A_140 = arith.constant 0 : index
    %swap3A_141 = arith.constant 544 : index
    %swap3A_142 = arith.constant 0 : index
    %swap3A_143 = vector.load %arg2[%swap3A_139, %swap3A_140, %swap3A_141, %swap3A_142] : memref<1x1x1024x1024xf32, #tpu.memory_space<vmem>>, vector<1x1x32x1024xf32>
    %swap3A_144 = vector.shape_cast %swap3A_143 : vector<1x1x32x1024xf32> to vector<32x1024xf32>
    %swap3A_145 = vector.shape_cast %slice3A_138 : vector<32x1024xf32> to vector<1x1x32x1024xf32>
    tpu.vector_store %arg2[%swap3A_139, %swap3A_140, %swap3A_141, %swap3A_142], %swap3A_145 {strides = array<i32>} : memref<1x1x1024x1024xf32, #tpu.memory_space<vmem>>, vector<1x1x32x1024xf32>,
    %slice3A_146 = vector.extract_strided_slice %get3A_3 {offsets = [0, 416], sizes = [32, 1024], strides = [1, 1]} : vector<32x2048xf32> to vector<32x1024xf32>
    %swap3A_147 = arith.constant 0 : index
    %swap3A_148 = arith.constant 0 : index
    %swap3A_149 = arith.constant 576 : index
    %swap3A_150 = arith.constant 0 : index
    %swap3A_151 = vector.load %arg2[%swap3A_147, %swap3A_148, %swap3A_149, %swap3A_150] : memref<1x1x1024x1024xf32, #tpu.memory_space<vmem>>, vector<1x1x32x1024xf32>
    %swap3A_152 = vector.shape_cast %swap3A_151 : vector<1x1x32x1024xf32> to vector<32x1024xf32>
    %swap3A_153 = vector.shape_cast %slice3A_146 : vector<32x1024xf32> to vector<1x1x32x1024xf32>
    tpu.vector_store %arg2[%swap3A_147, %swap3A_148, %swap3A_149, %swap3A_150], %swap3A_153 {strides = array<i32>} : memref<1x1x1024x1024xf32, #tpu.memory_space<vmem>>, vector<1x1x32x1024xf32>,
    %slice3A_154 = vector.extract_strided_slice %get3A_3 {offsets = [0, 384], sizes = [32, 1024], strides = [1, 1]} : vector<32x2048xf32> to vector<32x1024xf32>
    %swap3A_155 = arith.constant 0 : index
    %swap3A_156 = arith.constant 0 : index
    %swap3A_157 = arith.constant 608 : index
    %swap3A_158 = arith.constant 0 : index
    %swap3A_159 = vector.load %arg2[%swap3A_155, %swap3A_156, %swap3A_157, %swap3A_158] : memref<1x1x1024x1024xf32, #tpu.memory_space<vmem>>, vector<1x1x32x1024xf32>
    %swap3A_160 = vector.shape_cast %swap3A_159 : vector<1x1x32x1024xf32> to vector<32x1024xf32>
    %swap3A_161 = vector.shape_cast %slice3A_154 : vector<32x1024xf32> to vector<1x1x32x1024xf32>
    tpu.vector_store %arg2[%swap3A_155, %swap3A_156, %swap3A_157, %swap3A_158], %swap3A_161 {strides = array<i32>} : memref<1x1x1024x1024xf32, #tpu.memory_space<vmem>>, vector<1x1x32x1024xf32>,
    %slice3A_162 = vector.extract_strided_slice %get3A_3 {offsets = [0, 352], sizes = [32, 1024], strides = [1, 1]} : vector<32x2048xf32> to vector<32x1024xf32>
    %swap3A_163 = arith.constant 0 : index
    %swap3A_164 = arith.constant 0 : index
    %swap3A_165 = arith.constant 640 : index
    %swap3A_166 = arith.constant 0 : index
    %swap3A_167 = vector.load %arg2[%swap3A_163, %swap3A_164, %swap3A_165, %swap3A_166] : memref<1x1x1024x1024xf32, #tpu.memory_space<vmem>>, vector<1x1x32x1024xf32>
    %swap3A_168 = vector.shape_cast %swap3A_167 : vector<1x1x32x1024xf32> to vector<32x1024xf32>
    %swap3A_169 = vector.shape_cast %slice3A_162 : vector<32x1024xf32> to vector<1x1x32x1024xf32>
    tpu.vector_store %arg2[%swap3A_163, %swap3A_164, %swap3A_165, %swap3A_166], %swap3A_169 {strides = array<i32>} : memref<1x1x1024x1024xf32, #tpu.memory_space<vmem>>, vector<1x1x32x1024xf32>,
    %slice3A_170 = vector.extract_strided_slice %get3A_3 {offsets = [0, 320], sizes = [32, 1024], strides = [1, 1]} : vector<32x2048xf32> to vector<32x1024xf32>
    %swap3A_171 = arith.constant 0 : index
    %swap3A_172 = arith.constant 0 : index
    %swap3A_173 = arith.constant 672 : index
    %swap3A_174 = arith.constant 0 : index
    %swap3A_175 = vector.load %arg2[%swap3A_171, %swap3A_172, %swap3A_173, %swap3A_174] : memref<1x1x1024x1024xf32, #tpu.memory_space<vmem>>, vector<1x1x32x1024xf32>
    %swap3A_176 = vector.shape_cast %swap3A_175 : vector<1x1x32x1024xf32> to vector<32x1024xf32>
    %swap3A_177 = vector.shape_cast %slice3A_170 : vector<32x1024xf32> to vector<1x1x32x1024xf32>
    tpu.vector_store %arg2[%swap3A_171, %swap3A_172, %swap3A_173, %swap3A_174], %swap3A_177 {strides = array<i32>} : memref<1x1x1024x1024xf32, #tpu.memory_space<vmem>>, vector<1x1x32x1024xf32>,
    %slice3A_178 = vector.extract_strided_slice %get3A_3 {offsets = [0, 288], sizes = [32, 1024], strides = [1, 1]} : vector<32x2048xf32> to vector<32x1024xf32>
    %swap3A_179 = arith.constant 0 : index
    %swap3A_180 = arith.constant 0 : index
    %swap3A_181 = arith.constant 704 : index
    %swap3A_182 = arith.constant 0 : index
    %swap3A_183 = vector.load %arg2[%swap3A_179, %swap3A_180, %swap3A_181, %swap3A_182] : memref<1x1x1024x1024xf32, #tpu.memory_space<vmem>>, vector<1x1x32x1024xf32>
    %swap3A_184 = vector.shape_cast %swap3A_183 : vector<1x1x32x1024xf32> to vector<32x1024xf32>
    %swap3A_185 = vector.shape_cast %slice3A_178 : vector<32x1024xf32> to vector<1x1x32x1024xf32>
    tpu.vector_store %arg2[%swap3A_179, %swap3A_180, %swap3A_181, %swap3A_182], %swap3A_185 {strides = array<i32>} : memref<1x1x1024x1024xf32, #tpu.memory_space<vmem>>, vector<1x1x32x1024xf32>,
    %slice3A_186 = vector.extract_strided_slice %get3A_3 {offsets = [0, 256], sizes = [32, 1024], strides = [1, 1]} : vector<32x2048xf32> to vector<32x1024xf32>
    %swap3A_187 = arith.constant 0 : index
    %swap3A_188 = arith.constant 0 : index
    %swap3A_189 = arith.constant 736 : index
    %swap3A_190 = arith.constant 0 : index
    %swap3A_191 = vector.load %arg2[%swap3A_187, %swap3A_188, %swap3A_189, %swap3A_190] : memref<1x1x1024x1024xf32, #tpu.memory_space<vmem>>, vector<1x1x32x1024xf32>
    %swap3A_192 = vector.shape_cast %swap3A_191 : vector<1x1x32x1024xf32> to vector<32x1024xf32>
    %swap3A_193 = vector.shape_cast %slice3A_186 : vector<32x1024xf32> to vector<1x1x32x1024xf32>
    tpu.vector_store %arg2[%swap3A_187, %swap3A_188, %swap3A_189, %swap3A_190], %swap3A_193 {strides = array<i32>} : memref<1x1x1024x1024xf32, #tpu.memory_space<vmem>>, vector<1x1x32x1024xf32>,
    %slice3A_194 = vector.extract_strided_slice %get3A_3 {offsets = [0, 224], sizes = [32, 1024], strides = [1, 1]} : vector<32x2048xf32> to vector<32x1024xf32>
    %swap3A_195 = arith.constant 0 : index
    %swap3A_196 = arith.constant 0 : index
    %swap3A_197 = arith.constant 768 : index
    %swap3A_198 = arith.constant 0 : index
    %swap3A_199 = vector.load %arg2[%swap3A_195, %swap3A_196, %swap3A_197, %swap3A_198] : memref<1x1x1024x1024xf32, #tpu.memory_space<vmem>>, vector<1x1x32x1024xf32>
    %swap3A_200 = vector.shape_cast %swap3A_199 : vector<1x1x32x1024xf32> to vector<32x1024xf32>
    %swap3A_201 = vector.shape_cast %slice3A_194 : vector<32x1024xf32> to vector<1x1x32x1024xf32>
    tpu.vector_store %arg2[%swap3A_195, %swap3A_196, %swap3A_197, %swap3A_198], %swap3A_201 {strides = array<i32>} : memref<1x1x1024x1024xf32, #tpu.memory_space<vmem>>, vector<1x1x32x1024xf32>,
    %slice3A_202 = vector.extract_strided_slice %get3A_3 {offsets = [0, 192], sizes = [32, 1024], strides = [1, 1]} : vector<32x2048xf32> to vector<32x1024xf32>
    %swap3A_203 = arith.constant 0 : index
    %swap3A_204 = arith.constant 0 : index
    %swap3A_205 = arith.constant 800 : index
    %swap3A_206 = arith.constant 0 : index
    %swap3A_207 = vector.load %arg2[%swap3A_203, %swap3A_204, %swap3A_205, %swap3A_206] : memref<1x1x1024x1024xf32, #tpu.memory_space<vmem>>, vector<1x1x32x1024xf32>
    %swap3A_208 = vector.shape_cast %swap3A_207 : vector<1x1x32x1024xf32> to vector<32x1024xf32>
    %swap3A_209 = vector.shape_cast %slice3A_202 : vector<32x1024xf32> to vector<1x1x32x1024xf32>
    tpu.vector_store %arg2[%swap3A_203, %swap3A_204, %swap3A_205, %swap3A_206], %swap3A_209 {strides = array<i32>} : memref<1x1x1024x1024xf32, #tpu.memory_space<vmem>>, vector<1x1x32x1024xf32>,
    %slice3A_210 = vector.extract_strided_slice %get3A_3 {offsets = [0, 160], sizes = [32, 1024], strides = [1, 1]} : vector<32x2048xf32> to vector<32x1024xf32>
    %swap3A_211 = arith.constant 0 : index
    %swap3A_212 = arith.constant 0 : index
    %swap3A_213 = arith.constant 832 : index
    %swap3A_214 = arith.constant 0 : index
    %swap3A_215 = vector.load %arg2[%swap3A_211, %swap3A_212, %swap3A_213, %swap3A_214] : memref<1x1x1024x1024xf32, #tpu.memory_space<vmem>>, vector<1x1x32x1024xf32>
    %swap3A_216 = vector.shape_cast %swap3A_215 : vector<1x1x32x1024xf32> to vector<32x1024xf32>
    %swap3A_217 = vector.shape_cast %slice3A_210 : vector<32x1024xf32> to vector<1x1x32x1024xf32>
    tpu.vector_store %arg2[%swap3A_211, %swap3A_212, %swap3A_213, %swap3A_214], %swap3A_217 {strides = array<i32>} : memref<1x1x1024x1024xf32, #tpu.memory_space<vmem>>, vector<1x1x32x1024xf32>,
    %slice3A_218 = vector.extract_strided_slice %get3A_3 {offsets = [0, 128], sizes = [32, 1024], strides = [1, 1]} : vector<32x2048xf32> to vector<32x1024xf32>
    %swap3A_219 = arith.constant 0 : index
    %swap3A_220 = arith.constant 0 : index
    %swap3A_221 = arith.constant 864 : index
    %swap3A_222 = arith.constant 0 : index
    %swap3A_223 = vector.load %arg2[%swap3A_219, %swap3A_220, %swap3A_221, %swap3A_222] : memref<1x1x1024x1024xf32, #tpu.memory_space<vmem>>, vector<1x1x32x1024xf32>
    %swap3A_224 = vector.shape_cast %swap3A_223 : vector<1x1x32x1024xf32> to vector<32x1024xf32>
    %swap3A_225 = vector.shape_cast %slice3A_218 : vector<32x1024xf32> to vector<1x1x32x1024xf32>
    tpu.vector_store %arg2[%swap3A_219, %swap3A_220, %swap3A_221, %swap3A_222], %swap3A_225 {strides = array<i32>} : memref<1x1x1024x1024xf32, #tpu.memory_space<vmem>>, vector<1x1x32x1024xf32>,
    %slice3A_226 = vector.extract_strided_slice %get3A_3 {offsets = [0, 96], sizes = [32, 1024], strides = [1, 1]} : vector<32x2048xf32> to vector<32x1024xf32>
    %swap3A_227 = arith.constant 0 : index
    %swap3A_228 = arith.constant 0 : index
    %swap3A_229 = arith.constant 896 : index
    %swap3A_230 = arith.constant 0 : index
    %swap3A_231 = vector.load %arg2[%swap3A_227, %swap3A_228, %swap3A_229, %swap3A_230] : memref<1x1x1024x1024xf32, #tpu.memory_space<vmem>>, vector<1x1x32x1024xf32>
    %swap3A_232 = vector.shape_cast %swap3A_231 : vector<1x1x32x1024xf32> to vector<32x1024xf32>
    %swap3A_233 = vector.shape_cast %slice3A_226 : vector<32x1024xf32> to vector<1x1x32x1024xf32>
    tpu.vector_store %arg2[%swap3A_227, %swap3A_228, %swap3A_229, %swap3A_230], %swap3A_233 {strides = array<i32>} : memref<1x1x1024x1024xf32, #tpu.memory_space<vmem>>, vector<1x1x32x1024xf32>,
    %slice3A_234 = vector.extract_strided_slice %get3A_3 {offsets = [0, 64], sizes = [32, 1024], strides = [1, 1]} : vector<32x2048xf32> to vector<32x1024xf32>
    %swap3A_235 = arith.constant 0 : index
    %swap3A_236 = arith.constant 0 : index
    %swap3A_237 = arith.constant 928 : index
    %swap3A_238 = arith.constant 0 : index
    %swap3A_239 = vector.load %arg2[%swap3A_235, %swap3A_236, %swap3A_237, %swap3A_238] : memref<1x1x1024x1024xf32, #tpu.memory_space<vmem>>, vector<1x1x32x1024xf32>
    %swap3A_240 = vector.shape_cast %swap3A_239 : vector<1x1x32x1024xf32> to vector<32x1024xf32>
    %swap3A_241 = vector.shape_cast %slice3A_234 : vector<32x1024xf32> to vector<1x1x32x1024xf32>
    tpu.vector_store %arg2[%swap3A_235, %swap3A_236, %swap3A_237, %swap3A_238], %swap3A_241 {strides = array<i32>} : memref<1x1x1024x1024xf32, #tpu.memory_space<vmem>>, vector<1x1x32x1024xf32>,
    %slice3A_242 = vector.extract_strided_slice %get3A_3 {offsets = [0, 32], sizes = [32, 1024], strides = [1, 1]} : vector<32x2048xf32> to vector<32x1024xf32>
    %swap3A_243 = arith.constant 0 : index
    %swap3A_244 = arith.constant 0 : index
    %swap3A_245 = arith.constant 960 : index
    %swap3A_246 = arith.constant 0 : index
    %swap3A_247 = vector.load %arg2[%swap3A_243, %swap3A_244, %swap3A_245, %swap3A_246] : memref<1x1x1024x1024xf32, #tpu.memory_space<vmem>>, vector<1x1x32x1024xf32>
    %swap3A_248 = vector.shape_cast %swap3A_247 : vector<1x1x32x1024xf32> to vector<32x1024xf32>
    %swap3A_249 = vector.shape_cast %slice3A_242 : vector<32x1024xf32> to vector<1x1x32x1024xf32>
    tpu.vector_store %arg2[%swap3A_243, %swap3A_244, %swap3A_245, %swap3A_246], %swap3A_249 {strides = array<i32>} : memref<1x1x1024x1024xf32, #tpu.memory_space<vmem>>, vector<1x1x32x1024xf32>,
    %slice3A_250 = vector.extract_strided_slice %get3A_3 {offsets = [0, 0], sizes = [32, 1024], strides = [1, 1]} : vector<32x2048xf32> to vector<32x1024xf32>
    %swap3A_251 = arith.constant 0 : index
    %swap3A_252 = arith.constant 0 : index
    %swap3A_253 = arith.constant 992 : index
    %swap3A_254 = arith.constant 0 : index
    %swap3A_255 = vector.load %arg2[%swap3A_251, %swap3A_252, %swap3A_253, %swap3A_254] : memref<1x1x1024x1024xf32, #tpu.memory_space<vmem>>, vector<1x1x32x1024xf32>
    %swap3A_256 = vector.shape_cast %swap3A_255 : vector<1x1x32x1024xf32> to vector<32x1024xf32>
    %swap3A_257 = vector.shape_cast %slice3A_250 : vector<32x1024xf32> to vector<1x1x32x1024xf32>
    tpu.vector_store %arg2[%swap3A_251, %swap3A_252, %swap3A_253, %swap3A_254], %swap3A_257 {strides = array<i32>} : memref<1x1x1024x1024xf32, #tpu.memory_space<vmem>>, vector<1x1x32x1024xf32>,
    return
  }
  func.func @transform_0(%arg0: i32) -> (i32, i32, i32) {
    %c0_i32 = arith.constant 0 : i32
    %c0_i32_0 = arith.constant 0 : i32
    %c0_i32_1 = arith.constant 0 : i32
    return %arg0, %c0_i32, %c0_i32_0 : i32, i32, i32
  }
  func.func @transform_1(%arg0: i32) -> (i32, i32, i32, i32) {
    %c0_i32 = arith.constant 0 : i32
    %c0_i32_0 = arith.constant 0 : i32
    %c0_i32_1 = arith.constant 0 : i32
    %c0_i32_2 = arith.constant 0 : i32
    return %c0_i32, %arg0, %c0_i32_0, %c0_i32_1 : i32, i32, i32, i32
  }
}

</mosaic_0001>

<sc_bundles>
// kernel: kernel.4.cloned.1.call-start
scs
__scs_entry_jumppad:
0x0: {  	(pc) =	sbr.rel $0x88, $3  }
0x1: {  	(tag) =	ssettag $0x0;
	lr =	simm.s32 $0x1  }
0x2: {  	[smem:$0x3FA0] =	sst lr;
	_ =	strace $0xD0000000  }
0x3: {  	_ = 	snop  }
0x4: {  	_ = 	snop  }
0x5: {  	_ = 	snop  }
0x6: {  	_ = 	snop  }
0x7: {  	_ = 	snop  }
__scs_overlays_trampoline_lowered:
0x8: {  	[smem:$0x3FAF] =	sst s0  }
0x9: {  	[smem:$0x3FB0] =	sst s1  }
0xa: {  	[smem:$0x3FB1] =	sst s2  }
0xb: {  	[smem:$0x3FB2] =	sst s3  }
0xc: {  	[smem:$0x3FB3] =	sst s4  }
0xd: {  	[smem:$0x3FB4] =	sst s5  }
0xe: {  	[smem:$0x3FB5] =	sst s6  }
0xf: {  	[smem:$0x3FB6] =	sst s7  }
0x10: {  	[smem:$0x3FB7] =	sst s8  }
0x11: {  	[smem:$0x3FB8] =	sst s9;
	s0 =	simm.s32 @!p0 $0x0  }
0x12: {  	s1 =	sld [smem:$0x3F9E];
	s0 =	simm.s32 @p0 $0x1  }
0x13: {  	[smem:$0x3FB9] =	sst s0;
	s0 =	simm.s32 @!p1 $0x0  }
0x14: {  	s2 =	sld [smem:$0x3F9D];
	s0 =	simm.s32 @p1 $0x1  }
0x15: {  	[smem:$0x3FBA] =	sst s0;
	s0 =	simm.s32 @!p2 $0x0  }
0x16: {  	s3 =	sld [smem:$0x3FDB];
	s0 =	simm.s32 @p2 $0x1  }
0x17: {  	s4 =	simm.s32 $0x1BF5;
	[smem:$0x3FBC] =	sst s0  }
0x18: {  	s0 =	sld [smem:$0x3F9F];
	_ =	swait.ge [sflag:s4], $0x0  }
0x19: {  	s7 =	sld [smem:$0x3FA0]  }
0x1a: {  	s8 =	sadd.s32 $0xFFFFE003, lr  }
0x1b: {  	s9 =	sadd.s32 $0xFFFFFEF7, lr;
	s5 =	simm.s32 $0xFFFFFFFF;
	p2 =	slt.u32 s8, $0xFFFFF086  }
0x1c: {  	p1 =	slt.u32 s9, $0xF7A;
	s5 =	simm.s32 @!p2 $0x0  }
0x1d: {  	s5 =	simm.s32 @p1 $0x1;
	p0 =	seq.s32 s7, s2  }
0x1e: {  	s7 =	smul.u32 @!p0 $0xF7A, s2;
	p2 =	seq.s32 @!p0 s5, $0x0  }
0x1f: {  	s9 =	smul.u32 $0xF7A, s1;
	s8 =	simm.s32 @!p0 $0x1BF5;
	p2 =	por !p2, p0  }
0x20: {  	[sflag:s8] =	ssyncset.s32 @!p0 $0xFFFFF086;
	s6 =	sadd.s32 @!p0 s3, s7;
	s7 =	simm.s32 @!p0 $0x108  }
0x21: {  	s3 =	sadd.s32 s3, s9;
	s6 =	sadd.s32 @!p0 $0x88, s6;
	s7 =	simm.s32 @p2 $0x1082  }
0x22: {  	[simem:s7], [sflag:s8] =	dma.local @!p0 [hbm:s6], $0xF7A  }
0x23: {  	s9 =	sor.u32 $0xD0000000, s2;
	s6 =	simm.s32 $0x108;
	_ =	swait.ge @!p0 [sflag:s8], $0x0  }
0x24: {  	s3 =	sadd.s32 $0x88, s3;
	s6 =	simm.s32 @!p1 $0x1082;
	[sflag:s4] =	ssyncset.s32 $0xFFFFF086  }
0x25: {  	[simem:s6], [sflag:s4] =	dma.local [hbm:s3], $0xF7A  }
0x26: {  	[smem:$0x3FA0] =	sst s1;
	(tag) =	ssettag s2;
	_ =	strace s9  }
0x27: {  	s1 =	sld [smem:$0x3FB0]  }
0x28: {  	s2 =	sld [smem:$0x3FB1]  }
0x29: {  	s4 =	sld [smem:$0x3FB3]  }
0x2a: {  	p0 =	seq.s32 s5, $0x0;
	s5 =	sld [smem:$0x3FB4]  }
0x2b: {  	s6 =	sld [smem:$0x3FB5]  }
0x2c: {  	s7 =	sld [smem:$0x3FB6]  }
0x2d: {  	s3 =	simm.s32 $0x108;
	s8 =	sld [smem:$0x3FB7]  }
0x2e: {  	s3 =	simm.s32 @!p0 $0x1082;
	s9 =	sld [smem:$0x3FB8]  }
0x2f: {  	lr =	sadd.s32 s0, s3;
	s0 =	sld [smem:$0x3FAF]  }
0x30: {  	s3 =	sld [smem:$0x3FB2]  }
0x31: {  	[smem:$0x3FBB] =	sst s10  }
0x32: {  	s10 =	sld [smem:$0x3FB9];
	_ =	sdelay $0x3  }
0x33: {  	p0 =	seq.s32 s10, $0x1;
	s10 =	sld [smem:$0x3FBB];
	_ =	sdelay $0x3  }
0x34: {  	[smem:$0x3FBB] =	sst s10  }
0x35: {  	s10 =	sld [smem:$0x3FBA];
	_ =	sdelay $0x3  }
0x36: {  	p1 =	seq.s32 s10, $0x1;
	s10 =	sld [smem:$0x3FBB];
	_ =	sdelay $0x3  }
0x37: {  	[smem:$0x3FBB] =	sst s10  }
0x38: {  	s10 =	sld [smem:$0x3FBC]  }
0x39: {  	_ = 	snop;
	(pc) =	sbr.ind lr, $3  }
0x3a: {  	_ = 	snop  }
0x3b: {  	_ = 	snop  }
0x3c: {  	p2 =	seq.s32 s10, $0x1;
	s10 =	sld [smem:$0x3FBB]  }
0x3d: {  	_ =	shalt  }
0x3e: {  	_ =	shalt  }
0x3f: {  	_ =	shalt  }
0x40: {  	_ =	shalt  }
0x41: {  	_ =	shalt  }
0x42: {  	_ =	shalt  }
0x43: {  	_ =	shalt  }
0x44: {  	_ =	shalt  }
0x45: {  	_ =	shalt  }
0x46: {  	_ =	shalt  }
0x47: {  	_ =	shalt  }
0x48: {  	_ =	shalt  }
0x49: {  	_ =	shalt  }
0x4a: {  	_ =	shalt  }
0x4b: {  	_ =	shalt  }
0x4c: {  	_ =	shalt  }
0x4d: {  	_ =	shalt  }
0x4e: {  	_ =	shalt  }
0x4f: {  	_ =	shalt  }
0x50: {  	_ =	shalt  }
0x51: {  	_ =	shalt  }
0x52: {  	_ =	shalt  }
0x53: {  	_ =	shalt  }
0x54: {  	_ =	shalt  }
0x55: {  	_ =	shalt  }
0x56: {  	_ =	shalt  }
0x57: {  	_ =	shalt  }
0x58: {  	_ =	shalt  }
0x59: {  	_ =	shalt  }
0x5a: {  	_ =	shalt  }
0x5b: {  	_ =	shalt  }
0x5c: {  	_ =	shalt  }
0x5d: {  	_ =	shalt  }
0x5e: {  	_ =	shalt  }
0x5f: {  	_ =	shalt  }
0x60: {  	_ =	shalt  }
0x61: {  	_ =	shalt  }
0x62: {  	_ =	shalt  }
0x63: {  	_ =	shalt  }
0x64: {  	_ =	shalt  }
0x65: {  	_ =	shalt  }
0x66: {  	_ =	shalt  }
0x67: {  	_ =	shalt  }
0x68: {  	_ =	shalt  }
0x69: {  	_ =	shalt  }
0x6a: {  	_ =	shalt  }
0x6b: {  	_ =	shalt  }
0x6c: {  	_ =	shalt  }
0x6d: {  	_ =	shalt  }
0x6e: {  	_ =	shalt  }
0x6f: {  	_ =	shalt  }
0x70: {  	_ =	shalt  }
0x71: {  	_ =	shalt  }
0x72: {  	_ =	shalt  }
0x73: {  	_ =	shalt  }
0x74: {  	_ =	shalt  }
0x75: {  	_ =	shalt  }
0x76: {  	_ =	shalt  }
0x77: {  	_ =	shalt  }
0x78: {  	_ =	shalt  }
0x79: {  	_ =	shalt  }
0x7a: {  	_ =	shalt  }
0x7b: {  	_ =	shalt  }
0x7c: {  	_ =	shalt  }
0x7d: {  	_ =	shalt  }
0x7e: {  	_ =	shalt  }
0x7f: {  	_ =	shalt  }
0x80: {  	_ =	shalt  }
0x81: {  	_ =	shalt  }
0x82: {  	_ =	shalt  }
0x83: {  	_ =	shalt  }
0x84: {  	_ =	shalt  }
0x85: {  	_ =	shalt  }
0x86: {  	_ =	shalt  }
0x87: {  	_ =	shalt  }
.Lfunc_end0:
.L_simem_size_0:
called_computation_lowered:
.L_overlay_start_0:
0x88: {  	s2 =	sld [smem:$0x3FD9]  }
0x89: {  	s3 =	sld [smem:$0x3FFE];
	_ =	sdelay $0x1  }
0x8a: {  	s1 =	srdreg.scid  }
0x8b: {  	s0 =	sand.u32 $0x1, s1  }
0x8c: {  	s17 =	sshll.u32 s0, $0xA;
	s2 =	sadd.s32 s3, s2  }
0x8d: {  	s2 =	sadd.s32 s2, s17  }
0x8e: {  	[smem:$0x3FC7] =	sst s2  }
0x8f: {  	_ = 	snop  }
0x90: {  	s2 =	sld [smem:$0x3FD0];
	(tm) =	ssettm $0x1  }
0x91: {  	s18 =	sld [smem:$0x3FFB];
	_ =	sdelay $0x3  }
0x92: {  	_ =	strace s18  }
0x93: {  	s3 =	sld [smem:$0x3FFC];
	_ =	sdelay $0x3  }
0x94: {  	_ =	strace s3  }
0x95: {  	s3 =	sld [smem:$0x3FFD];
	_ =	sdelay $0x3  }
0x96: {  	_ =	strace s3  }
0x97: {  	_ =	strace $0x8FFFFFFF  }
0x98: {  	s19 =	sld [smem:$0x3FDB];
	_ =	sdelay $0x1  }
0x99: {  	s4 =	simm.s32 $_scs_section_size  }
0x9a: {  	s5 =	simm.s32 $_size__tile_overlayer_lowered;
	s6 =	simm.s32 $_tile_overlayer_lowered  }
0x9b: {  	s22 =	simm.s32 $0x1BFF;
	s21 =	sshll.u32 s6, $0x1;
	s3 =	sadd.s32 s4, s19  }
0x9c: {  	s7 =	simm.s32 $0x0;
	s20 =	sshll.u32 s5, $0x1;
	s5 =	sadd.s32 s21, s3  }
0x9d: {  	[timem:s7], [sflag:s22] =	dma.local [hbm:s5], s20  }
0x9e: {  	_ =	swait.ge [sflag:s22], s20  }
0x9f: {  	s4 =	ssub.s32 $0x0, s20;
	[sflag:s22] =	ssyncset.done $0x0  }
0xa0: {  	[sflag:s22] =	ssyncadd.s32 s4;
	_ =	sdelay $0x1  }
0xa1: {  	s23 =	simm.s32 $0x1B8B  }
0xa2: {  	_ =	swait.ge [sflag:s23], $0x1  }
0xa3: {  	[sflag:s23] =	ssyncset.done $0x0  }
0xa4: {  	s25 =	simm.s32 $0x1B8E;
	s24 =	sld [smem:$0x3FFE];
	[sflag:s23] =	ssyncadd.s32 $0xFFFFFFFF  }
0xa5: {  	s26 =	simm.s32 $execute0_lowered;
	[smem:$0x3FD2] =	sst s25  }
0xa6: {  	s5 =	sshll.u32 s26, $0x1;
	_ =	strace $0x80000046;
	[dreg:$0x1] =	wrdreg $0xFFFFFFFF  }
0xa7: {  	s28 =	simm.s32 $_size_execute0_lowered;
	s3 =	sadd.s32 s3, s5;
	[dreg:$0x0] =	wrdreg $0x0  }
0xa8: {  	s5 =	sshll.u32 s28, $0x1;
	[dreg:$0x2] =	wrdreg s3  }
0xa9: {  	[dreg:$0x3] =	wrdreg s5  }
0xaa: {  	[dreg:$0x4] =	wrdreg $0xC0  }
0xab: {  	_ =	task [dreg:s7], $0x5FFFF  }
0xac: {  	[dreg:$0x1] =	wrdreg $0xFFFFFFFF  }
0xad: {  	[dreg:$0x0] =	wrdreg $0x60  }
0xae: {  	[dreg:$0x2] =	wrdreg s24  }
0xaf: {  	[dreg:$0x3] =	wrdreg s2  }
0xb0: {  	[dreg:$0x4] =	wrdreg $0x9  }
0xb1: {  	_ =	task.clear_ibuf [dreg:s7], $0x5FFFF;
	_ =	strace $0x90000046  }
0xb2: {  	s29 =	simm.s32 $0x9;
	_ =	strace $0x80000048  }
0xb3: {  	_ =	swait.ge [sflag:s29], $0x1  }
0xb4: {  	[sflag:s29] =	ssyncadd.s32 $0xFFFFFFFF  }
0xb5: {  	_ =	strace $0x90000048  }
0xb6: {  	_ =	sfence  }
0xb7: {  	s30 =	sld [smem:$0x0];
	_ =	sdelay $0x2  }
0xb8: {  	s31 =	sshll.u32 s1, $0xD;
	s1 =	sshrl.u32 s1, $0x2  }
0xb9: {  	s3 =	sand.u32 $0x4000, s31;
	s1 =	sadd.s32 s1, s30  }
0xba: {  	s0 =	sor.u32 s3, s0;
	s1 =	sshll.u32 s1, $0x11  }
0xbb: {  	s0 =	sor.u32 s1, s0  }
0xbc: {  	s0 =	sadd.s32 $0x8F2B, s0  }
0xbd: {  	[sflag:s0] =	ssyncadd.remote.s32 $0x1  }
0xbe: {  	_ =	sfence.sel $0xFFFF  }
0xbf: {  	[dreg:$0x0] =	wrdreg $0xFFFFFFFF;
	(pc) =	sbr.abs _section_cstart, $3  }
0xc0: {  	[dreg:$0x1] =	wrdreg $0xFFFFFFFF  }
0xc1: {  	_ =	task.clear_ibuf [dreg:s7], $0x2FFFF;
	_ =	strace $0x9FFFFFFF  }
0xc2: {  	(tm) =	ssettm $0x7FFFFFFF  }
0xc3: {  	_ =	shalt  }
tec
execute0_lowered:
.L_overlay_start_1:
0x0: {  	(tag) =	ssettag $0x1  }
0x1: {  	s0 =	rddreg [dreg:$0x0]  }
0x2: {  	s2 =	rddreg [dreg:$0x1];
	s1 =	simm.s32 $0x0;
	s3 =	srdreg.scid  }
0x3: {  	s6 =	stileid.u32;
	[smem:$0x7FF] =	sst s1  }
0x4: {  	s3 =	sand.u32 $0x1, s3;
	s5 =	sadd.s32 $0x600, s0;
	s29 =	smul.u32 $0x31, s6  }
0x5: {  	s30 =	sshll.u32 s6, $0xD;
	_ =	strace $0x80000047;
	s4 =	sshll.u32 s3, $0xC  }
0x6: {  	s3 =	ssub.s32 $0x2, s3;
	[dreg:$0x1a] =	wrdreg s5;
	s0 =	sadd.s32 s4, s0  }
0x7: {  	s28 =	sshrl.u32 s3, $0x1;
	s2 =	sadd.s32 s2, s4;
	s0 =	sadd.s32 $0x800, s0  }
0x8: {  	s3 =	ssub.s32 s3, s28;
	s2 =	sadd.s32 s30, s2;
	[dreg:$0x1b] =	wrdreg s0  }
0x9: {  	[dreg:$0x1c] =	wrdreg s2;
	s31 =	smax.u32 s3, $0x1  }
0xa: {  	v0 =	vmov s29;
	s3 =	simm.s32 $0x1;
	s2 =	simm.s32 $0x0;
	[dreg:$0x1d] =	wrdreg s31  }
.LBB2_1:
0xb: {  	[dreg:$0x1e] =	wrdreg s2  }
0xc: {  	s0 =	rddreg [dreg:$0x1a]  }
0xd: {  	[tilespmem:s1], [sflag:$0x1] =	stream.linear.gather [hbm4b:s0+s1], $0x380, $0x38;
	[tilespmem:$0x10380] =	vst v63  }
0xe: {  	_ =	swait.ge [sflag:s3], $0x380  }
0xf: {  	[sflag:s3] =	ssyncset.done $0x0  }
0x10: {  	s17 =	simm.s32 $0x380;
	s16 =	rddreg [dreg:$0x1b];
	[sflag:s3] =	ssyncadd.s32 $0xFFFFFC80  }
0x11: {  	[tilespmem:s17], [sflag:$0x1] =	stream.linear.gather [hbm4b:s16+s1], $0x8000, $0x38;
	[tilespmem:$0x10380] =	vst v63  }
0x12: {  	_ =	swait.ge [sflag:s3], $0x8000  }
0x13: {  	s18 =	sand.u32 $0x40, s1;
	s19 =	sand.u32 $0x3C00, s1;
	[sflag:s3] =	ssyncset.done $0x0  }
0x14: {  	s12 =	sor.u32 s18, s19;
	[sflag:s3] =	ssyncadd.s32 $0xFFFF8000  }
0x15: {  	v1 =	vld [tilespmem:s12+$0x3B0];
	_ =	sdelay $0x2  }
0x16: {  	v2 =	vld [tilespmem:s12+$0x380];
	_ =	sdelay $0x1  }
0x17: {  	v3 =	vld [tilespmem:s12+$0x390];
	v1 =	vadd.s32 v0, v1  }
0x18: {  	v4 =	vld [tilespmem:s12+$0x430]  }
0x19: {  	v5 =	vld [tilespmem:s12+$0x3A0]  }
0x1a: {  	v6 =	vld [tilespmem:s12+$0x400];
	v2 =	vadd.s32 v0, v2  }
0x1b: {  	v7 =	vld [tilespmem:s12+$0x410]  }
0x1c: {  	v3 =	vadd.s32 v0, v3;
	v1 =	vld.idx.msk [tilespmem:v1+s1+$0x0], $0xffff  }
0x1d: {  	v8 =	vld [tilespmem:s12+$0x420];
	v4 =	vadd.s32 v0, v4  }
0x1e: {  	v9 =	vld [tilespmem:s12+$0x4B0];
	v5 =	vadd.s32 v0, v5  }
0x1f: {  	v2 =	vld.idx.msk [tilespmem:v2+s1+$0x0], $0xffff  }
0x20: {  	v10 =	vld [tilespmem:s12+$0x480]  }
0x21: {  	v6 =	vadd.s32 v0, v6;
	v3 =	vld.idx.msk [tilespmem:v3+s1+$0x0], $0xffff;
	[tilespmem:s12+$0x83B0] =	vst v1  }
0x22: {  	v1 =	vld.idx.msk [tilespmem:v4+s1+$0x0], $0xffff  }
0x23: {  	v4 =	vld.idx.msk [tilespmem:v5+s1+$0x0], $0xffff;
	v5 =	vadd.s32 v0, v9  }
0x24: {  	[tilespmem:s12+$0x8380] =	vst v2;
	v2 =	vld [tilespmem:s12+$0x530]  }
0x25: {  	v11 =	vld [tilespmem:s12+$0x4A0];
	v7 =	vadd.s32 v0, v7  }
0x26: {  	v8 =	vadd.s32 v0, v8;
	v6 =	vld.idx.msk [tilespmem:v6+s1+$0x0], $0xffff  }
0x27: {  	v10 =	vadd.s32 v0, v10;
	v9 =	vld [tilespmem:s12+$0x490];
	[tilespmem:s12+$0x8430] =	vst v1  }
0x28: {  	v1 =	vld.idx.msk [tilespmem:v5+s1+$0x0], $0xffff  }
0x29: {  	[tilespmem:s12+$0x8390] =	vst v3;
	v3 =	vld [tilespmem:s12+$0x500];
	v2 =	vadd.s32 v0, v2  }
0x2a: {  	[tilespmem:s12+$0x83A0] =	vst v4;
	v5 =	vld.idx.msk [tilespmem:v7+s1+$0x0], $0xffff  }
0x2b: {  	[tilespmem:s12+$0x8400] =	vst v6;
	v4 =	vld.idx.msk [tilespmem:v8+s1+$0x0], $0xffff  }
0x2c: {  	v7 =	vld.idx.msk [tilespmem:v10+s1+$0x0], $0xffff  }
0x2d: {  	v6 =	vadd.s32 v0, v9;
	v8 =	vld [tilespmem:s12+$0x510];
	[tilespmem:s12+$0x84B0] =	vst v1  }
0x2e: {  	v9 =	vadd.s32 v0, v11;
	v1 =	vld.idx.msk [tilespmem:v2+s1+$0x0], $0xffff  }
0x2f: {  	p0 =	por $0x0, $0x0;
	s0 =	simm.s32 $0x1;
	v2 =	vadd.s32 v0, v3;
	v3 =	vld [tilespmem:s12+$0x520]  }
0x30: {  	s0 =	simm.s32 @!p0 $0x0  }
0x31: {  	s0 =	sshll.u32 s0, $0x6;
	[tilespmem:s12+$0x8410] =	vst v5  }
0x32: {  	s0 =	sadd.s32 $0x0, s0;
	[tilespmem:s12+$0x8420] =	vst v4;
	v4 =	vld.idx.msk [tilespmem:v6+s1+$0x0], $0xffff  }
0x33: {  	s14 =	sadd.s32 $0x30, s0;
	[tilespmem:s12+$0x8480] =	vst v7;
	v5 =	vadd.s32 v0, v8;
	v6 =	vld.idx.msk [tilespmem:v9+s1+$0x0], $0xffff  }
0x34: {  	s20 =	sor.u32 $0x200, s14;
	v2 =	vld.idx.msk [tilespmem:v2+s1+$0x0], $0xffff;
	[tilespmem:s12+$0x8530] =	vst v1;
	v1 =	vadd.s32 v0, v3  }
0x35: {  	v3 =	vld [tilespmem:s20+$0x380];
	_ =	sdelay $0x1  }
0x36: {  	[tilespmem:s12+$0x8490] =	vst v4  }
0x37: {  	[tilespmem:s12+$0x84A0] =	vst v6;
	v4 =	vld.idx.msk [tilespmem:v5+s1+$0x0], $0xffff  }
0x38: {  	s4 =	sor.u32 $0x200, s0;
	v1 =	vld.idx.msk [tilespmem:v1+s1+$0x0], $0xffff;
	[tilespmem:s12+$0x8500] =	vst v2  }
0x39: {  	v2 =	vadd.s32 v0, v3;
	v3 =	vld [tilespmem:s4+$0x380];
	_ =	sdelay $0x1  }
0x3a: {  	s2 =	sadd.s32 $0x10, s0  }
0x3b: {  	s5 =	sor.u32 $0x200, s2;
	[tilespmem:s12+$0x8510] =	vst v4  }
0x3c: {  	s8 =	sadd.s32 $0x20, s0;
	v4 =	vld [tilespmem:s5+$0x380]  }
0x3d: {  	s6 =	sor.u32 $0x200, s8;
	[tilespmem:s12+$0x8520] =	vst v1;
	v1 =	vld.idx.msk [tilespmem:v2+s1+$0x0], $0xffff;
	v2 =	vadd.s32 v0, v3  }
0x3e: {  	v3 =	vld [tilespmem:s6+$0x380];
	_ =	sdelay $0x2  }
0x3f: {  	v4 =	vadd.s32 v0, v4  }
0x40: {  	s21 =	sor.u32 $0x280, s14;
	v2 =	vld.idx.msk [tilespmem:v2+s1+$0x0], $0xffff;
	[tilespmem:s20+$0x8380] =	vst v1  }
0x41: {  	v3 =	vadd.s32 v0, v3;
	v1 =	vld [tilespmem:s21+$0x380];
	_ =	sdelay $0x2  }
0x42: {  	v4 =	vld.idx.msk [tilespmem:v4+s1+$0x0], $0xffff;
	_ =	sdelay $0x1  }
0x43: {  	s7 =	sor.u32 $0x280, s0;
	v3 =	vld.idx.msk [tilespmem:v3+s1+$0x0], $0xffff;
	[tilespmem:s4+$0x8380] =	vst v2;
	v1 =	vadd.s32 v0, v1  }
0x44: {  	v2 =	vld [tilespmem:s7+$0x380];
	_ =	sdelay $0x1  }
0x45: {  	s22 =	sor.u32 $0x280, s2;
	[tilespmem:s5+$0x8380] =	vst v4  }
0x46: {  	v4 =	vld [tilespmem:s22+$0x380]  }
0x47: {  	s23 =	sor.u32 $0x280, s8;
	[tilespmem:s6+$0x8380] =	vst v3;
	v1 =	vld.idx.msk [tilespmem:v1+s1+$0x0], $0xffff  }
0x48: {  	v2 =	vadd.s32 v0, v2;
	v3 =	vld [tilespmem:s23+$0x380];
	_ =	sdelay $0x2  }
0x49: {  	v4 =	vadd.s32 v0, v4;
	_ =	sdelay $0x1  }
0x4a: {  	s24 =	sor.u32 $0x300, s14;
	v2 =	vld.idx.msk [tilespmem:v2+s1+$0x0], $0xffff;
	[tilespmem:s21+$0x8380] =	vst v1;
	v1 =	vadd.s32 v0, v3  }
0x4b: {  	v3 =	vld [tilespmem:s24+$0x380];
	_ =	sdelay $0x1  }
0x4c: {  	v4 =	vld.idx.msk [tilespmem:v4+s1+$0x0], $0xffff;
	_ =	sdelay $0x1  }
0x4d: {  	s25 =	sor.u32 $0x300, s0;
	v1 =	vld.idx.msk [tilespmem:v1+s1+$0x0], $0xffff;
	[tilespmem:s7+$0x8380] =	vst v2  }
0x4e: {  	v2 =	vadd.s32 v0, v3;
	v3 =	vld [tilespmem:s25+$0x380];
	_ =	sdelay $0x1  }
0x4f: {  	s26 =	sor.u32 $0x300, s2;
	[tilespmem:s22+$0x8380] =	vst v4  }
0x50: {  	v4 =	vld [tilespmem:s26+$0x380];
	_ =	sdelay $0x1  }
0x51: {  	s29 =	sor.u32 $0x300, s8;
	[tilespmem:s23+$0x8380] =	vst v1;
	v1 =	vld.idx.msk [tilespmem:v2+s1+$0x0], $0xffff;
	v2 =	vadd.s32 v0, v3  }
0x52: {  	v3 =	vld [tilespmem:s29+$0x380];
	_ =	sdelay $0x1  }
0x53: {  	v4 =	vadd.s32 v0, v4;
	_ =	sdelay $0x1  }
0x54: {  	s9 =	sor.u32 $0x380, s14;
	v2 =	vld.idx.msk [tilespmem:v2+s1+$0x0], $0xffff;
	[tilespmem:s24+$0x8380] =	vst v1  }
0x55: {  	v3 =	vadd.s32 v0, v3;
	v1 =	vld [tilespmem:s9+$0x380];
	_ =	sdelay $0x1  }
0x56: {  	v4 =	vld.idx.msk [tilespmem:v4+s1+$0x0], $0xffff;
	_ =	sdelay $0x2  }
0x57: {  	s10 =	sor.u32 $0x380, s0;
	v3 =	vld.idx.msk [tilespmem:v3+s1+$0x0], $0xffff;
	[tilespmem:s25+$0x8380] =	vst v2;
	v1 =	vadd.s32 v0, v1  }
0x58: {  	v2 =	vld [tilespmem:s10+$0x380]  }
0x59: {  	s11 =	sor.u32 $0x380, s2;
	[tilespmem:s26+$0x8380] =	vst v4  }
0x5a: {  	v4 =	vld [tilespmem:s11+$0x380];
	_ =	sdelay $0x1  }
0x5b: {  	s13 =	sor.u32 $0x380, s8;
	[tilespmem:s29+$0x8380] =	vst v3;
	v1 =	vld.idx.msk [tilespmem:v1+s1+$0x0], $0xffff  }
0x5c: {  	v2 =	vadd.s32 v0, v2;
	v3 =	vld [tilespmem:s13+$0x380];
	_ =	sdelay $0x1  }
0x5d: {  	v4 =	vadd.s32 v0, v4;
	_ =	sdelay $0x2  }
0x5e: {  	v2 =	vld.idx.msk [tilespmem:v2+s1+$0x0], $0xffff;
	[tilespmem:s9+$0x8380] =	vst v1;
	v1 =	vadd.s32 v0, v3  }
0x5f: {  	v3 =	vld [tilespmem:s12+$0x43B0]  }
0x60: {  	v4 =	vld.idx.msk [tilespmem:v4+s1+$0x0], $0xffff  }
0x61: {  	v8 =	vld [tilespmem:s12+$0x44B0]  }
0x62: {  	v11 =	vld [tilespmem:s12+$0x4530]  }
0x63: {  	v1 =	vld.idx.msk [tilespmem:v1+s1+$0x0], $0xffff;
	[tilespmem:s10+$0x8380] =	vst v2  }
0x64: {  	v2 =	vadd.s32 v0, v3;
	v3 =	vld [tilespmem:s12+$0x4380]  }
0x65: {  	[tilespmem:s11+$0x8380] =	vst v4;
	v4 =	vld [tilespmem:s12+$0x4430]  }
0x66: {  	v6 =	vld [tilespmem:s12+$0x4400]  }
0x67: {  	v5 =	vld [tilespmem:s12+$0x4390]  }
0x68: {  	s15 =	simm.s32 $0x200;
	s16 =	simm.s32 $0x40;
	v10 =	vld [tilespmem:s12+$0x4480]  }
0x69: {  	s3 =	sand.u32 $0x3C00, s15;
	s4 =	sand.u32 $0x40, s16;
	v7 =	vld [tilespmem:s12+$0x4410]  }
0x6a: {  	s11 =	sor.u32 s4, s3;
	[tilespmem:s13+$0x8380] =	vst v1;
	v1 =	vld.idx.msk [tilespmem:v2+s1+$0x0], $0xffff  }
0x6b: {  	v12 =	vld [tilespmem:s11+$0x3B0];
	v4 =	vadd.s32 v0, v4  }
0x6c: {  	v13 =	vld [tilespmem:s11+$0x380];
	v5 =	vadd.s32 v0, v5  }
0x6d: {  	v14 =	vld [tilespmem:s11+$0x3A0]  }
0x6e: {  	v15 =	vld [tilespmem:s11+$0x400]  }
0x6f: {  	v16 =	vld [tilespmem:s11+$0x410];
	[tilespmem:s12+$0xC3B0] =	vst v1  }
0x70: {  	v1 =	vld.idx.msk [tilespmem:v4+s1+$0x0], $0xffff  }
0x71: {  	v4 =	vld.idx.msk [tilespmem:v5+s1+$0x0], $0xffff;
	v5 =	vadd.s32 v0, v8  }
0x72: {  	v17 =	vld [tilespmem:s11+$0x430]  }
0x73: {  	v18 =	vld [tilespmem:s11+$0x420];
	v12 =	vadd.s32 v0, v12  }
0x74: {  	v19 =	vld [tilespmem:s11+$0x4B0];
	v13 =	vadd.s32 v0, v13  }
0x75: {  	v60 =	vld [tilespmem:s11+$0x530];
	[tilespmem:s12+$0xC430] =	vst v1  }
0x76: {  	v1 =	vld.idx.msk [tilespmem:v5+s1+$0x0], $0xffff  }
0x77: {  	v5 =	vld [tilespmem:s11+$0x390]  }
0x78: {  	v11 =	vadd.s32 v0, v11;
	v12 =	vld.idx.msk [tilespmem:v12+s1+$0x0], $0xffff  }
0x79: {  	v17 =	vadd.s32 v0, v17;
	v13 =	vld.idx.msk [tilespmem:v13+s1+$0x0], $0xffff  }
0x7a: {  	v61 =	vld [tilespmem:s11+$0x4A0];
	v15 =	vadd.s32 v0, v15  }
0x7b: {  	v62 =	vld [tilespmem:s11+$0x500]  }
0x7c: {  	v2 =	vadd.s32 v0, v3;
	v3 =	vld [tilespmem:s12+$0x43A0];
	v5 =	vadd.s32 v0, v5;
	[tilespmem:s12+$0xC4B0] =	vst v1  }
0x7d: {  	[tilespmem:s11+$0x83B0] =	vst v12;
	v1 =	vld.idx.msk [tilespmem:v11+s1+$0x0], $0xffff;
	v11 =	vadd.s32 v0, v14  }
0x7e: {  	[tilespmem:s11+$0x8380] =	vst v13;
	v13 =	vld.idx.msk [tilespmem:v17+s1+$0x0], $0xffff  }
0x7f: {  	v59 =	vadd.s32 v0, v19;
	v15 =	vld.idx.msk [tilespmem:v15+s1+$0x0], $0xffff  }
0x80: {  	v14 =	vld [tilespmem:s11+$0x480]  }
0x81: {  	v5 =	vld.idx.msk [tilespmem:v5+s1+$0x0], $0xffff  }
0x82: {  	s17 =	sor.u32 $0x4200, s14;
	[tilespmem:s12+$0xC530] =	vst v1;
	v1 =	vld.idx.msk [tilespmem:v11+s1+$0x0], $0xffff  }
0x83: {  	[tilespmem:s11+$0x8430] =	vst v13;
	v11 =	vadd.s32 v0, v16;
	v12 =	vld [tilespmem:s17+$0x380]  }
0x84: {  	v13 =	vld.idx.msk [tilespmem:v59+s1+$0x0], $0xffff  }
0x85: {  	v9 =	vld [tilespmem:s12+$0x4420];
	[tilespmem:s11+$0x8400] =	vst v15;
	v15 =	vadd.s32 v0, v60  }
0x86: {  	v63 =	vld [tilespmem:s12+$0x44A0];
	v58 =	vadd.s32 v0, v18;
	[tilespmem:s11+$0x8390] =	vst v5  }
0x87: {  	v5 =	vld [tilespmem:s11+$0x490];
	[tilespmem:s11+$0x83A0] =	vst v1;
	v1 =	vadd.s32 v0, v14  }
0x88: {  	v11 =	vld.idx.msk [tilespmem:v11+s1+$0x0], $0xffff;
	v12 =	vadd.s32 v0, v12  }
0x89: {  	v2 =	vld.idx.msk [tilespmem:v2+s1+$0x0], $0xffff;
	[tilespmem:s11+$0x84B0] =	vst v13  }
0x8a: {  	v13 =	vld.idx.msk [tilespmem:v15+s1+$0x0], $0xffff  }
0x8b: {  	v14 =	vld.idx.msk [tilespmem:v58+s1+$0x0], $0xffff  }
0x8c: {  	v3 =	vadd.s32 v0, v3;
	v1 =	vld.idx.msk [tilespmem:v1+s1+$0x0], $0xffff  }
0x8d: {  	p0 =	por !p0, !p0;
	s3 =	simm.s32 $0x1;
	v5 =	vadd.s32 v0, v5;
	[tilespmem:s11+$0x8410] =	vst v11;
	v11 =	vld.idx.msk [tilespmem:v12+s1+$0x0], $0xffff  }
0x8e: {  	s3 =	simm.s32 @!p0 $0x0;
	v12 =	vld [tilespmem:s11+$0x510]  }
0x8f: {  	s3 =	sshll.u32 s3, $0x6;
	v8 =	vld [tilespmem:s12+$0x4490];
	v16 =	vadd.s32 v0, v61  }
0x90: {  	s3 =	sadd.s32 $0x200, s3;
	v15 =	vld [tilespmem:s11+$0x520];
	[tilespmem:s11+$0x8420] =	vst v14;
	v14 =	vadd.s32 v0, v62  }
0x91: {  	s15 =	sadd.s32 $0x30, s3;
	v7 =	vadd.s32 v0, v7;
	v3 =	vld.idx.msk [tilespmem:v3+s1+$0x0], $0xffff  }
0x92: {  	v6 =	vadd.s32 v0, v6;
	s13 =	sor.u32 $0x200, s15;
	[tilespmem:s11+$0x8530] =	vst v13;
	v5 =	vld.idx.msk [tilespmem:v5+s1+$0x0], $0xffff  }
0x93: {  	v13 =	vld [tilespmem:s13+$0x380];
	[tilespmem:s11+$0x8480] =	vst v1;
	v1 =	vadd.s32 v0, v12  }
0x94: {  	[tilespmem:s12+$0xC390] =	vst v4;
	v12 =	vld.idx.msk [tilespmem:v16+s1+$0x0], $0xffff  }
0x95: {  	v14 =	vld.idx.msk [tilespmem:v14+s1+$0x0], $0xffff;
	[tilespmem:s17+$0x8380] =	vst v11;
	v11 =	vadd.s32 v0, v15  }
0x96: {  	[tilespmem:s12+$0xC380] =	vst v2;
	v4 =	vld.idx.msk [tilespmem:v7+s1+$0x0], $0xffff  }
0x97: {  	v9 =	vadd.s32 v0, v9;
	[tilespmem:s11+$0x8490] =	vst v5;
	v5 =	vld.idx.msk [tilespmem:v6+s1+$0x0], $0xffff  }
0x98: {  	s18 =	sor.u32 $0x4280, s14;
	v1 =	vld.idx.msk [tilespmem:v1+s1+$0x0], $0xffff  }
0x99: {  	v2 =	vld [tilespmem:s18+$0x380];
	[tilespmem:s11+$0x84A0] =	vst v12  }
0x9a: {  	s9 =	sor.u32 $0x200, s3;
	v6 =	vadd.s32 v0, v10;
	v10 =	vadd.s32 v0, v13;
	[tilespmem:s11+$0x8500] =	vst v14;
	v7 =	vld.idx.msk [tilespmem:v11+s1+$0x0], $0xffff  }
0x9b: {  	[tilespmem:s12+$0xC3A0] =	vst v3;
	v3 =	vld [tilespmem:s9+$0x380]  }
0x9c: {  	s4 =	sadd.s32 $0x10, s3;
	v9 =	vld.idx.msk [tilespmem:v9+s1+$0x0], $0xffff;
	[tilespmem:s12+$0xC400] =	vst v5  }
0x9d: {  	s10 =	sor.u32 $0x200, s4;
	v11 =	vld [tilespmem:s12+$0x4520];
	v5 =	vadd.s32 v0, v8;
	[tilespmem:s11+$0x8510] =	vst v1  }
0x9e: {  	s5 =	sadd.s32 $0x20, s3;
	v1 =	vld [tilespmem:s10+$0x380]  }
0x9f: {  	s19 =	sor.u32 $0x200, s5;
	v2 =	vadd.s32 v0, v2;
	[tilespmem:s11+$0x8520] =	vst v7;
	v7 =	vld.idx.msk [tilespmem:v10+s1+$0x0], $0xffff  }
0xa0: {  	v3 =	vadd.s32 v0, v3;
	v10 =	vld [tilespmem:s19+$0x380]  }
0xa1: {  	[tilespmem:s12+$0xC410] =	vst v4;
	v6 =	vld.idx.msk [tilespmem:v6+s1+$0x0], $0xffff  }
0xa2: {  	v4 =	vld.idx.msk [tilespmem:v5+s1+$0x0], $0xffff  }
0xa3: {  	v5 =	vld [tilespmem:s12+$0x4500];
	v1 =	vadd.s32 v0, v1  }
0xa4: {  	[tilespmem:s12+$0xC420] =	vst v9;
	v8 =	vadd.s32 v0, v63;
	v2 =	vld.idx.msk [tilespmem:v2+s1+$0x0], $0xffff  }
0xa5: {  	s20 =	sor.u32 $0x280, s15;
	v3 =	vld.idx.msk [tilespmem:v3+s1+$0x0], $0xffff;
	[tilespmem:s13+$0x8380] =	vst v7;
	v9 =	vadd.s32 v0, v10  }
0xa6: {  	v7 =	vld [tilespmem:s20+$0x380]  }
0xa7: {  	v10 =	vld [tilespmem:s12+$0x4510]  }
0xa8: {  	v5 =	vadd.s32 v0, v5;
	v1 =	vld.idx.msk [tilespmem:v1+s1+$0x0], $0xffff  }
0xa9: {  	v8 =	vld.idx.msk [tilespmem:v8+s1+$0x0], $0xffff  }
0xaa: {  	s16 =	sor.u32 $0x280, s3;
	[tilespmem:s9+$0x8380] =	vst v3;
	v9 =	vld.idx.msk [tilespmem:v9+s1+$0x0], $0xffff  }
0xab: {  	s21 =	sor.u32 $0x4300, s14;
	[tilespmem:s18+$0x8380] =	vst v2;
	v2 =	vadd.s32 v0, v7;
	v3 =	vld [tilespmem:s16+$0x380]  }
0xac: {  	[tilespmem:s12+$0xC480] =	vst v6;
	v6 =	vld [tilespmem:s21+$0x380]  }
0xad: {  	s23 =	sor.u32 $0x280, s4;
	v7 =	vadd.s32 v0, v10;
	[tilespmem:s10+$0x8380] =	vst v1;
	v1 =	vld.idx.msk [tilespmem:v5+s1+$0x0], $0xffff  }
0xae: {  	v5 =	vadd.s32 v0, v11;
	v10 =	vld [tilespmem:s23+$0x380];
	_ =	sdelay $0x1  }
0xaf: {  	s24 =	sor.u32 $0x280, s5;
	[tilespmem:s19+$0x8380] =	vst v9;
	v2 =	vld.idx.msk [tilespmem:v2+s1+$0x0], $0xffff;
	v3 =	vadd.s32 v0, v3  }
0xb0: {  	[tilespmem:s12+$0xC490] =	vst v4;
	v4 =	vld [tilespmem:s24+$0x380]  }
0xb1: {  	[tilespmem:s12+$0xC4A0] =	vst v8;
	v6 =	vadd.s32 v0, v6;
	v7 =	vld.idx.msk [tilespmem:v7+s1+$0x0], $0xffff  }
0xb2: {  	s26 =	sor.u32 $0x4200, s0;
	[tilespmem:s12+$0xC500] =	vst v1;
	v1 =	vld.idx.msk [tilespmem:v5+s1+$0x0], $0xffff;
	v8 =	vadd.s32 v0, v10  }
0xb3: {  	v5 =	vld [tilespmem:s26+$0x380]  }
0xb4: {  	s17 =	sor.u32 $0x300, s15;
	v3 =	vld.idx.msk [tilespmem:v3+s1+$0x0], $0xffff;
	[tilespmem:s20+$0x8380] =	vst v2  }
0xb5: {  	v2 =	vadd.s32 v0, v4;
	v4 =	vld [tilespmem:s17+$0x380]  }
0xb6: {  	v6 =	vld.idx.msk [tilespmem:v6+s1+$0x0], $0xffff  }
0xb7: {  	s18 =	sor.u32 $0x4200, s2;
	[tilespmem:s12+$0xC510] =	vst v7;
	v7 =	vld.idx.msk [tilespmem:v8+s1+$0x0], $0xffff  }
0xb8: {  	s19 =	sor.u32 $0x4200, s8;
	[tilespmem:s12+$0xC520] =	vst v1;
	v8 =	vld [tilespmem:s18+$0x380]  }
0xb9: {  	v1 =	vadd.s32 v0, v5;
	v5 =	vld [tilespmem:s19+$0x380]  }
0xba: {  	s29 =	sor.u32 $0x300, s3;
	[tilespmem:s16+$0x8380] =	vst v3;
	v2 =	vld.idx.msk [tilespmem:v2+s1+$0x0], $0xffff;
	v3 =	vadd.s32 v0, v4  }
0xbb: {  	v4 =	vld [tilespmem:s29+$0x380]  }
0xbc: {  	s22 =	sor.u32 $0x300, s4;
	[tilespmem:s23+$0x8380] =	vst v7  }
0xbd: {  	v7 =	vadd.s32 v0, v8;
	v8 =	vld [tilespmem:s22+$0x380]  }
0xbe: {  	v1 =	vld.idx.msk [tilespmem:v1+s1+$0x0], $0xffff;
	v5 =	vadd.s32 v0, v5  }
0xbf: {  	s25 =	sor.u32 $0x300, s5;
	[tilespmem:s24+$0x8380] =	vst v2;
	v2 =	vld.idx.msk [tilespmem:v3+s1+$0x0], $0xffff  }
0xc0: {  	s13 =	sor.u32 $0x4380, s14;
	[tilespmem:s21+$0x8380] =	vst v6;
	v3 =	vadd.s32 v0, v4;
	v4 =	vld [tilespmem:s25+$0x380]  }
0xc1: {  	v6 =	vld [tilespmem:s13+$0x380]  }
0xc2: {  	v7 =	vld.idx.msk [tilespmem:v7+s1+$0x0], $0xffff;
	v8 =	vadd.s32 v0, v8  }
0xc3: {  	s14 =	sor.u32 $0x4280, s0;
	[tilespmem:s26+$0x8380] =	vst v1;
	v1 =	vld.idx.msk [tilespmem:v5+s1+$0x0], $0xffff  }
0xc4: {  	v5 =	vld [tilespmem:s14+$0x380]  }
0xc5: {  	s20 =	sor.u32 $0x380, s15;
	v3 =	vld.idx.msk [tilespmem:v3+s1+$0x0], $0xffff;
	[tilespmem:s17+$0x8380] =	vst v2;
	v4 =	vadd.s32 v0, v4  }
0xc6: {  	v2 =	vld [tilespmem:s20+$0x380]  }
0xc7: {  	s21 =	sor.u32 $0x4280, s2;
	[tilespmem:s18+$0x8380] =	vst v7;
	v8 =	vld.idx.msk [tilespmem:v8+s1+$0x0], $0xffff  }
0xc8: {  	s23 =	sor.u32 $0x4280, s8;
	[tilespmem:s19+$0x8380] =	vst v1;
	v7 =	vld [tilespmem:s21+$0x380]  }
0xc9: {  	v1 =	vld [tilespmem:s23+$0x380];
	v5 =	vadd.s32 v0, v5  }
0xca: {  	s24 =	sor.u32 $0x380, s3;
	[tilespmem:s29+$0x8380] =	vst v3;
	v4 =	vld.idx.msk [tilespmem:v4+s1+$0x0], $0xffff  }
0xcb: {  	v2 =	vadd.s32 v0, v2;
	v3 =	vld [tilespmem:s24+$0x380];
	_ =	sdelay $0x1  }
0xcc: {  	v6 =	vadd.s32 v0, v6  }
0xcd: {  	s26 =	sor.u32 $0x380, s4;
	[tilespmem:s22+$0x8380] =	vst v8;
	v7 =	vadd.s32 v0, v7;
	v5 =	vld.idx.msk [tilespmem:v5+s1+$0x0], $0xffff  }
0xce: {  	v1 =	vadd.s32 v0, v1;
	v8 =	vld [tilespmem:s26+$0x380]  }
0xcf: {  	s29 =	sor.u32 $0x380, s5;
	[tilespmem:s25+$0x8380] =	vst v4;
	v2 =	vld.idx.msk [tilespmem:v2+s1+$0x0], $0xffff;
	v3 =	vadd.s32 v0, v3  }
0xd0: {  	v4 =	vld [tilespmem:s29+$0x380]  }
0xd1: {  	v9 =	vld.idx.msk [tilespmem:v6+s1+$0x0], $0xffff  }
0xd2: {  	v6 =	vld.idx.msk [tilespmem:v7+s1+$0x0], $0xffff  }
0xd3: {  	v1 =	vld.idx.msk [tilespmem:v1+s1+$0x0], $0xffff;
	v7 =	vadd.s32 v0, v8  }
0xd4: {  	v3 =	vld.idx.msk [tilespmem:v3+s1+$0x0], $0xffff;
	[tilespmem:s20+$0x8380] =	vst v2  }
0xd5: {  	s19 =	sor.u32 $0x4300, s0;
	[tilespmem:s14+$0x8380] =	vst v5;
	v2 =	vadd.s32 v0, v4;
	v4 =	vld [tilespmem:s11+$0x43B0]  }
0xd6: {  	v8 =	vld [tilespmem:s19+$0x380]  }
0xd7: {  	v15 =	vld [tilespmem:s11+$0x44B0]  }
0xd8: {  	s22 =	sor.u32 $0x4300, s2;
	[tilespmem:s21+$0x8380] =	vst v6;
	v5 =	vld.idx.msk [tilespmem:v7+s1+$0x0], $0xffff  }
0xd9: {  	v7 =	vld [tilespmem:s22+$0x380]  }
0xda: {  	[tilespmem:s24+$0x8380] =	vst v3;
	v2 =	vld.idx.msk [tilespmem:v2+s1+$0x0], $0xffff;
	v3 =	vadd.s32 v0, v4  }
0xdb: {  	v4 =	vld [tilespmem:s11+$0x4380]  }
0xdc: {  	v10 =	vld [tilespmem:s11+$0x4400]  }
0xdd: {  	[tilespmem:s26+$0x8380] =	vst v5;
	v5 =	vld [tilespmem:s11+$0x4430]  }
0xde: {  	v6 =	vld [tilespmem:s11+$0x4390]  }
0xdf: {  	[tilespmem:s29+$0x8380] =	vst v2;
	v2 =	vld.idx.msk [tilespmem:v3+s1+$0x0], $0xffff  }
0xe0: {  	v3 =	vadd.s32 v0, v4;
	v4 =	vld [tilespmem:s11+$0x43A0]  }
0xe1: {  	s25 =	sor.u32 $0x4300, s8;
	[tilespmem:s23+$0x8380] =	vst v1;
	v14 =	vld [tilespmem:s11+$0x4420]  }
0xe2: {  	v1 =	vld [tilespmem:s25+$0x380];
	v11 =	vadd.s32 v0, v5  }
0xe3: {  	s7 =	sor.u32 $0x4380, s2;
	s28 =	sor.u32 $0x4200, s3;
	s31 =	sor.u32 $0x4300, s3;
	v12 =	vld [tilespmem:s11+$0x4410];
	v13 =	vadd.s32 v0, v6  }
0xe4: {  	s6 =	sor.u32 $0x4280, s5;
	s30 =	sor.u32 $0x4300, s4;
	s9 =	sor.u32 $0x4380, s8;
	v5 =	vld [tilespmem:s11+$0x4480]  }
0xe5: {  	s10 =	sor.u32 $0x4380, s0;
	s12 =	sor.u32 $0x4300, s5;
	s16 =	sor.u32 $0x4280, s3;
	v6 =	vld.idx.msk [tilespmem:v3+s1+$0x0], $0xffff;
	v3 =	vadd.s32 v0, v7  }
0xe6: {  	s3 =	sor.u32 $0x4380, s3;
	s17 =	sor.u32 $0x4200, s5;
	s5 =	sor.u32 $0x4380, s5;
	[tilespmem:s11+$0xC3B0] =	vst v2;
	v7 =	vadd.s32 v0, v10;
	v10 =	vadd.s32 v0, v4;
	v4 =	vadd.s32 v0, v14;
	v14 =	vld [tilespmem:s11+$0x4490]  }
0xe7: {  	[tilespmem:s13+$0x8380] =	vst v9;
	s2 =	simm.s32 $0x400;
	s8 =	simm.s32 $0x80;
	s14 =	sor.u32 $0x4280, s4;
	v1 =	vadd.s32 v0, v1;
	v11 =	vld.idx.msk [tilespmem:v11+s1+$0x0], $0xffff  }
0xe8: {  	s20 =	simm.s32 $0x4;
	s26 =	sor.u32 $0x4200, s4;
	s4 =	sor.u32 $0x4380, s4;
	v2 =	vadd.s32 v0, v8;
	v9 =	vadd.s32 v0, v12;
	v12 =	vadd.s32 v0, v15;
	v13 =	vld.idx.msk [tilespmem:v13+s1+$0x0], $0xffff  }
.LBB2_2:
0xe9: {  	[dreg:$0xf] =	wrdreg s14;
	s13 =	sand.u32 $0x40, s8;
	s14 =	sand.u32 $0x3C00, s2  }
0xea: {  	[dreg:$0x5] =	wrdreg s9;
	v15 =	vld [tilespmem:s11+$0x4530];
	s9 =	sor.u32 s13, s14  }
0xeb: {  	v16 =	vld [tilespmem:s9+$0x3B0]  }
0xec: {  	v20 =	vld [tilespmem:s9+$0x420]  }
0xed: {  	v58 =	vld [tilespmem:s9+$0x4A0];
	[tilespmem:s11+$0xC380] =	vst v6  }
0xee: {  	[tilespmem:s11+$0xC390] =	vst v13;
	v13 =	vld [tilespmem:s9+$0x3A0]  }
0xef: {  	[tilespmem:s11+$0xC430] =	vst v11;
	v17 =	vld [tilespmem:s9+$0x380]  }
0xf0: {  	v11 =	vld.idx.msk [tilespmem:v12+s1+$0x0], $0xffff  }
0xf1: {  	v6 =	vadd.s32 v0, v14;
	v12 =	vld [tilespmem:s9+$0x390];
	v14 =	vadd.s32 v0, v15  }
0xf2: {  	v15 =	vld [tilespmem:s9+$0x400];
	v16 =	vadd.s32 v0, v16  }
0xf3: {  	v62 =	vld [tilespmem:s9+$0x520]  }
0xf4: {  	v8 =	vadd.s32 v0, v5;
	v5 =	vld [tilespmem:s11+$0x44A0]  }
0xf5: {  	v19 =	vld [tilespmem:s9+$0x430];
	v17 =	vadd.s32 v0, v17;
	[tilespmem:s11+$0xC4B0] =	vst v11  }
0xf6: {  	v12 =	vadd.s32 v0, v12;
	v11 =	vadd.s32 v0, v13;
	v13 =	vld.idx.msk [tilespmem:v14+s1+$0x0], $0xffff  }
0xf7: {  	v14 =	vadd.s32 v0, v15;
	v15 =	vld.idx.msk [tilespmem:v16+s1+$0x0], $0xffff  }
0xf8: {  	v18 =	vld [tilespmem:s9+$0x410]  }
0xf9: {  	v21 =	vld [tilespmem:s9+$0x4B0]  }
0xfa: {  	v19 =	vadd.s32 v0, v19;
	v52 =	vld.idx.msk [tilespmem:v17+s1+$0x0], $0xffff  }
0xfb: {  	v12 =	vld.idx.msk [tilespmem:v12+s1+$0x0], $0xffff;
	[tilespmem:s11+$0xC530] =	vst v13  }
0xfc: {  	[dreg:$0x14] =	wrdreg s16;
	s16 =	sor.u32 $0x4200, s15;
	v11 =	vld.idx.msk [tilespmem:v11+s1+$0x0], $0xffff;
	[tilespmem:s9+$0x83B0] =	vst v15  }
0xfd: {  	v13 =	vld [tilespmem:s16+$0x380]  }
0xfe: {  	v54 =	vld [tilespmem:s9+$0x480]  }
0xff: {  	v53 =	vadd.s32 v0, v18;
	v55 =	vld.idx.msk [tilespmem:v19+s1+$0x0], $0xffff;
	[tilespmem:s9+$0x8380] =	vst v52  }
0x100: {  	v20 =	vadd.s32 v0, v20;
	[tilespmem:s9+$0x8390] =	vst v12;
	v12 =	vld [tilespmem:s9+$0x490]  }
0x101: {  	v56 =	vadd.s32 v0, v21;
	v14 =	vld.idx.msk [tilespmem:v14+s1+$0x0], $0xffff  }
0x102: {  	[tilespmem:s9+$0x83A0] =	vst v11;
	v11 =	vld [tilespmem:s9+$0x530];
	v13 =	vadd.s32 v0, v13  }
0x103: {  	v59 =	vld [tilespmem:s9+$0x500];
	v15 =	vadd.s32 v0, v54  }
0x104: {  	v17 =	vld.idx.msk [tilespmem:v53+s1+$0x0], $0xffff  }
0x105: {  	v57 =	vld.idx.msk [tilespmem:v20+s1+$0x0], $0xffff;
	[tilespmem:s9+$0x8430] =	vst v55;
	v12 =	vadd.s32 v0, v12  }
0x106: {  	[tilespmem:s9+$0x8400] =	vst v14;
	v14 =	vld.idx.msk [tilespmem:v56+s1+$0x0], $0xffff  }
0x107: {  	v11 =	vadd.s32 v0, v11;
	v13 =	vld.idx.msk [tilespmem:v13+s1+$0x0], $0xffff  }
0x108: {  	v15 =	vld.idx.msk [tilespmem:v15+s1+$0x0], $0xffff  }
0x109: {  	v60 =	vld [tilespmem:s9+$0x510];
	v61 =	vadd.s32 v0, v58;
	[tilespmem:s9+$0x8410] =	vst v17  }
0x10a: {  	[dreg:$0x16] =	wrdreg s26;
	[tilespmem:s9+$0x8420] =	vst v57;
	v12 =	vld.idx.msk [tilespmem:v12+s1+$0x0], $0xffff  }
0x10b: {  	[dreg:$0x4] =	wrdreg s3;
	v10 =	vld.idx.msk [tilespmem:v10+s1+$0x0], $0xffff;
	[tilespmem:s9+$0x84B0] =	vst v14  }
0x10c: {  	s26 =	sor.u32 $0x4280, s15;
	p0 =	por !p0, !p0;
	s3 =	simm.s32 $0x1;
	v14 =	vadd.s32 v0, v59;
	v11 =	vld.idx.msk [tilespmem:v11+s1+$0x0], $0xffff;
	[tilespmem:s16+$0x8380] =	vst v13  }
0x10d: {  	s3 =	simm.s32 @!p0 $0x0;
	[tilespmem:s9+$0x8480] =	vst v15;
	v15 =	vld [tilespmem:s26+$0x380]  }
0x10e: {  	s3 =	sshll.u32 s3, $0x6;
	v63 =	vld.idx.msk [tilespmem:v61+s1+$0x0], $0xffff;
	v13 =	vadd.s32 v0, v60  }
0x10f: {  	s23 =	sadd.s32 s3, s2;
	v7 =	vld.idx.msk [tilespmem:v7+s1+$0x0], $0xffff;
	[tilespmem:s9+$0x8490] =	vst v12  }
0x110: {  	s3 =	smov.u32 s17;
	s17 =	sadd.s32 $0x30, s23;
	v12 =	vadd.s32 v0, v62;
	v9 =	vld.idx.msk [tilespmem:v9+s1+$0x0], $0xffff  }
0x111: {  	s29 =	sor.u32 $0x200, s17;
	v14 =	vld.idx.msk [tilespmem:v14+s1+$0x0], $0xffff;
	[tilespmem:s9+$0x8530] =	vst v11  }
0x112: {  	[tilespmem:s11+$0xC3A0] =	vst v10;
	v11 =	vld [tilespmem:s29+$0x380];
	v10 =	vadd.s32 v0, v15  }
0x113: {  	[tilespmem:s9+$0x84A0] =	vst v63;
	v13 =	vld.idx.msk [tilespmem:v13+s1+$0x0], $0xffff  }
0x114: {  	v4 =	vld.idx.msk [tilespmem:v4+s1+$0x0], $0xffff  }
0x115: {  	[tilespmem:s11+$0xC400] =	vst v7;
	v12 =	vld.idx.msk [tilespmem:v12+s1+$0x0], $0xffff  }
0x116: {  	v5 =	vadd.s32 v0, v5;
	v7 =	vld.idx.msk [tilespmem:v8+s1+$0x0], $0xffff;
	[tilespmem:s11+$0xC410] =	vst v9  }
0x117: {  	[dreg:$0x19] =	wrdreg s12;
	s12 =	smov.u32 s19;
	s19 =	sor.u32 $0x200, s23;
	[tilespmem:s9+$0x8500] =	vst v14;
	v8 =	vadd.s32 v0, v11;
	v9 =	vld.idx.msk [tilespmem:v10+s1+$0x0], $0xffff  }
0x118: {  	[dreg:$0xb] =	wrdreg s6;
	s6 =	smov.u32 s30;
	s30 =	sadd.s32 $0x10, s23;
	[tilespmem:s9+$0x8510] =	vst v13;
	v10 =	vld [tilespmem:s19+$0x380]  }
0x119: {  	[dreg:$0x15] =	wrdreg s10;
	s10 =	sor.u32 $0x200, s30;
	[tilespmem:s11+$0xC420] =	vst v4;
	v6 =	vld.idx.msk [tilespmem:v6+s1+$0x0], $0xffff  }
0x11a: {  	v11 =	vld [tilespmem:s10+$0x380];
	[tilespmem:s9+$0x8520] =	vst v12  }
0x11b: {  	s0 =	smov.u32 s31;
	s31 =	sadd.s32 $0x20, s23;
	v4 =	vld.idx.msk [tilespmem:v5+s1+$0x0], $0xffff  }
0x11c: {  	[dreg:$0x18] =	wrdreg s25;
	s25 =	sor.u32 $0x200, s31;
	[tilespmem:s11+$0xC480] =	vst v7;
	v5 =	vld.idx.msk [tilespmem:v8+s1+$0x0], $0xffff  }
0x11d: {  	v8 =	vld [tilespmem:s25+$0x380];
	v7 =	vadd.s32 v0, v10;
	[tilespmem:s26+$0x8380] =	vst v9;
	s26 =	sor.u32 $0x4300, s15  }
0x11e: {  	v9 =	vld [tilespmem:s26+$0x380]  }
0x11f: {  	v2 =	vld.idx.msk [tilespmem:v2+s1+$0x0], $0xffff  }
0x120: {  	v10 =	vadd.s32 v0, v11;
	v11 =	vld [tilespmem:s11+$0x4500]  }
0x121: {  	[tilespmem:s11+$0xC490] =	vst v6;
	v6 =	vld [tilespmem:s11+$0x4510]  }
0x122: {  	v8 =	vadd.s32 v0, v8;
	[tilespmem:s29+$0x8380] =	vst v5;
	s29 =	sor.u32 $0x280, s17;
	v7 =	vld.idx.msk [tilespmem:v7+s1+$0x0], $0xffff  }
0x123: {  	v5 =	vld [tilespmem:s29+$0x380];
	v9 =	vadd.s32 v0, v9  }
0x124: {  	v3 =	vld.idx.msk [tilespmem:v3+s1+$0x0], $0xffff  }
0x125: {  	v10 =	vld.idx.msk [tilespmem:v10+s1+$0x0], $0xffff;
	v11 =	vadd.s32 v0, v11  }
0x126: {  	[tilespmem:s11+$0xC4A0] =	vst v4;
	v4 =	vld [tilespmem:s11+$0x4520]  }
0x127: {  	s13 =	sor.u32 $0x380, s31;
	v6 =	vadd.s32 v0, v6;
	v8 =	vld.idx.msk [tilespmem:v8+s1+$0x0], $0xffff  }
0x128: {  	[dreg:$0xc] =	wrdreg s13;
	s13 =	sor.u32 $0x4200, s30;
	s16 =	sor.u32 $0x280, s23;
	[tilespmem:s19+$0x8380] =	vst v7;
	v5 =	vadd.s32 v0, v5;
	v7 =	vld.idx.msk [tilespmem:v9+s1+$0x0], $0xffff  }
0x129: {  	[dreg:$0x13] =	wrdreg s13;
	s13 =	sor.u32 $0x4200, s23;
	v9 =	vld [tilespmem:s16+$0x380]  }
0x12a: {  	s14 =	sor.u32 $0x280, s30;
	[dreg:$0x17] =	wrdreg s13;
	s13 =	sor.u32 $0x4280, s31;
	[tilespmem:s10+$0x8380] =	vst v10;
	v10 =	vld.idx.msk [tilespmem:v11+s1+$0x0], $0xffff  }
0x12b: {  	[dreg:$0x8] =	wrdreg s13;
	s13 =	smov.u32 s22;
	v4 =	vadd.s32 v0, v4;
	v11 =	vld [tilespmem:s14+$0x380];
	[tilespmem:s12+$0x8380] =	vst v2  }
0x12c: {  	v2 =	vld.idx.msk [tilespmem:v6+s1+$0x0], $0xffff;
	[tilespmem:s13+$0x8380] =	vst v3  }
0x12d: {  	[dreg:$0x11] =	wrdreg s7;
	s7 =	sor.u32 $0x280, s31;
	[tilespmem:s25+$0x8380] =	vst v8;
	v3 =	vld.idx.msk [tilespmem:v5+s1+$0x0], $0xffff  }
0x12e: {  	v6 =	vld [tilespmem:s7+$0x380];
	v5 =	vadd.s32 v0, v9;
	[tilespmem:s26+$0x8380] =	vst v7;
	s26 =	sor.u32 $0x4380, s15  }
0x12f: {  	v7 =	vld [tilespmem:s26+$0x380]  }
0x130: {  	[dreg:$0x6] =	wrdreg s5;
	s5 =	smov.u32 s28;
	v4 =	vld.idx.msk [tilespmem:v4+s1+$0x0], $0xffff;
	v8 =	vadd.s32 v0, v11;
	[tilespmem:s11+$0xC500] =	vst v10  }
0x131: {  	v9 =	vld [tilespmem:s5+$0x380]  }
0x132: {  	v1 =	vld.idx.msk [tilespmem:v1+s1+$0x0], $0xffff;
	s15 =	smov.u32 s17;
	[tilespmem:s11+$0xC510] =	vst v2  }
0x133: {  	s17 =	sor.u32 $0x300, s15;
	[tilespmem:s29+$0x8380] =	vst v3;
	v2 =	vld.idx.msk [tilespmem:v5+s1+$0x0], $0xffff;
	v5 =	vadd.s32 v0, v6  }
0x134: {  	v3 =	vld [tilespmem:s17+$0x380];
	v6 =	vadd.s32 v0, v7  }
0x135: {  	s29 =	rddreg [dreg:$0x16];
	v7 =	vld.idx.msk [tilespmem:v8+s1+$0x0], $0xffff  }
0x136: {  	[tilespmem:s11+$0xC520] =	vst v4;
	v8 =	vadd.s32 v0, v9;
	v9 =	vld [tilespmem:s29+$0x380]  }
0x137: {  	s11 =	smov.u32 s9;
	s9 =	rddreg [dreg:$0x18];
	v4 =	vld [tilespmem:s3+$0x380]  }
0x138: {  	v5 =	vld.idx.msk [tilespmem:v5+s1+$0x0], $0xffff;
	[tilespmem:s9+$0x8380] =	vst v1  }
0x139: {  	[dreg:$0x3] =	wrdreg s4;
	s24 =	sor.u32 $0x300, s23;
	s18 =	sor.u32 $0x380, s30;
	[tilespmem:s16+$0x8380] =	vst v2;
	v1 =	vadd.s32 v0, v3;
	v2 =	vld.idx.msk [tilespmem:v6+s1+$0x0], $0xffff  }
0x13a: {  	[dreg:$0xd] =	wrdreg s18;
	s18 =	sor.u32 $0x380, s23;
	v3 =	vld [tilespmem:s24+$0x380]  }
0x13b: {  	s21 =	sor.u32 $0x300, s30;
	[dreg:$0x10] =	wrdreg s18;
	[tilespmem:s14+$0x8380] =	vst v7;
	v6 =	vld.idx.msk [tilespmem:v8+s1+$0x0], $0xffff;
	v7 =	vadd.s32 v0, v9  }
0x13c: {  	s28 =	sor.u32 $0x4300, s30;
	s18 =	sor.u32 $0x4200, s31;
	v4 =	vadd.s32 v0, v4;
	s14 =	rddreg [dreg:$0x15];
	v8 =	vld [tilespmem:s21+$0x380]  }
0x13d: {  	[dreg:$0x12] =	wrdreg s18;
	s18 =	sor.u32 $0x4280, s30;
	s30 =	sor.u32 $0x4380, s30;
	v9 =	vld [tilespmem:s14+$0x380]  }
0x13e: {  	s4 =	sor.u32 $0x300, s31;
	[dreg:$0xa] =	wrdreg s30;
	s30 =	sor.u32 $0x4380, s31;
	[tilespmem:s7+$0x8380] =	vst v5;
	v1 =	vld.idx.msk [tilespmem:v1+s1+$0x0], $0xffff  }
0x13f: {  	[dreg:$0x7] =	wrdreg s30;
	v3 =	vadd.s32 v0, v3;
	v5 =	vld [tilespmem:s4+$0x380]  }
0x140: {  	s13 =	rddreg [dreg:$0x17];
	[tilespmem:s26+$0x8380] =	vst v2;
	v2 =	vld.idx.msk [tilespmem:v7+s1+$0x0], $0xffff  }
0x141: {  	s16 =	rddreg [dreg:$0x14];
	[tilespmem:s5+$0x8380] =	vst v6;
	v4 =	vld.idx.msk [tilespmem:v4+s1+$0x0], $0xffff;
	v7 =	vadd.s32 v0, v8  }
0x142: {  	s30 =	smov.u32 s28;
	s28 =	smov.u32 s13;
	s13 =	rddreg [dreg:$0x11];
	v6 =	vld [tilespmem:s16+$0x380]  }
0x143: {  	[dreg:$0x9] =	wrdreg s18;
	s18 =	sor.u32 $0x4280, s23;
	s22 =	sor.u32 $0x4300, s23;
	v8 =	vadd.s32 v0, v9;
	v9 =	vld [tilespmem:s13+$0x380]  }
0x144: {  	[dreg:$0xe] =	wrdreg s18;
	s18 =	sor.u32 $0x4300, s31;
	s7 =	sor.u32 $0x380, s15;
	[tilespmem:s17+$0x8380] =	vst v1;
	v3 =	vld.idx.msk [tilespmem:v3+s1+$0x0], $0xffff;
	v5 =	vadd.s32 v0, v5  }
0x145: {  	s31 =	smov.u32 s22;
	s22 =	smov.u32 s6;
	s6 =	rddreg [dreg:$0xf];
	v1 =	vld [tilespmem:s7+$0x380]  }
0x146: {  	s5 =	rddreg [dreg:$0xb];
	[tilespmem:s3+$0x8380] =	vst v4;
	v7 =	vld.idx.msk [tilespmem:v7+s1+$0x0], $0xffff  }
0x147: {  	s19 =	smov.u32 s0;
	s0 =	rddreg [dreg:$0x5];
	[tilespmem:s29+$0x8380] =	vst v2;
	v2 =	vadd.s32 v0, v6;
	v4 =	vld [tilespmem:s5+$0x380]  }
0x148: {  	s12 =	rddreg [dreg:$0x19];
	v6 =	vld [tilespmem:s6+$0x380]  }
0x149: {  	s25 =	smov.u32 s12;
	s12 =	smov.u32 s18;
	s18 =	rddreg [dreg:$0x12];
	v5 =	vld.idx.msk [tilespmem:v5+s1+$0x0], $0xffff  }
0x14a: {  	[tilespmem:s24+$0x8380] =	vst v3;
	v1 =	vadd.s32 v0, v1;
	v3 =	vld [tilespmem:s0+$0x380];
	s24 =	rddreg [dreg:$0x10]  }
0x14b: {  	s17 =	rddreg [dreg:$0x13];
	v10 =	vld [tilespmem:s24+$0x380]  }
0x14c: {  	s26 =	smov.u32 s17;
	s17 =	smov.u32 s18;
	s18 =	rddreg [dreg:$0xd];
	[tilespmem:s21+$0x8380] =	vst v7;
	v2 =	vld.idx.msk [tilespmem:v2+s1+$0x0], $0xffff;
	v4 =	vadd.s32 v0, v4  }
0x14d: {  	v6 =	vadd.s32 v0, v6;
	v7 =	vld [tilespmem:s18+$0x380]  }
0x14e: {  	v8 =	vld.idx.msk [tilespmem:v8+s1+$0x0], $0xffff  }
0x14f: {  	s9 =	rddreg [dreg:$0xc];
	v9 =	vadd.s32 v0, v9;
	[tilespmem:s4+$0x8380] =	vst v5;
	v1 =	vld.idx.msk [tilespmem:v1+s1+$0x0], $0xffff  }
0x150: {  	v5 =	vadd.s32 v0, v10;
	v10 =	vld [tilespmem:s9+$0x380]  }
0x151: {  	v4 =	vld.idx.msk [tilespmem:v4+s1+$0x0], $0xffff  }
0x152: {  	[tilespmem:s16+$0x8380] =	vst v2;
	v6 =	vld.idx.msk [tilespmem:v6+s1+$0x0], $0xffff;
	v7 =	vadd.s32 v0, v7  }
0x153: {  	v2 =	vld [tilespmem:s19+$0x380]  }
0x154: {  	[tilespmem:s14+$0x8380] =	vst v8;
	v8 =	vld.idx.msk [tilespmem:v9+s1+$0x0], $0xffff  }
0x155: {  	v3 =	vadd.s32 v0, v3;
	[tilespmem:s7+$0x8380] =	vst v1;
	v5 =	vld.idx.msk [tilespmem:v5+s1+$0x0], $0xffff  }
0x156: {  	v9 =	vadd.s32 v0, v10;
	v1 =	vld [tilespmem:s11+$0x43B0]  }
0x157: {  	[tilespmem:s5+$0x8380] =	vst v4;
	v7 =	vld.idx.msk [tilespmem:v7+s1+$0x0], $0xffff  }
0x158: {  	[tilespmem:s6+$0x8380] =	vst v6;
	v4 =	vld [tilespmem:s25+$0x380]  }
0x159: {  	v6 =	vld [tilespmem:s22+$0x380]  }
0x15a: {  	[tilespmem:s13+$0x8380] =	vst v8;
	v8 =	vld.idx.msk [tilespmem:v3+s1+$0x0], $0xffff  }
0x15b: {  	v9 =	vld.idx.msk [tilespmem:v9+s1+$0x0], $0xffff;
	[tilespmem:s24+$0x8380] =	vst v5  }
0x15c: {  	v5 =	vadd.s32 v0, v1;
	v10 =	vld [tilespmem:s11+$0x4380]  }
0x15d: {  	[tilespmem:s18+$0x8380] =	vst v7;
	v7 =	vld [tilespmem:s11+$0x4430]  }
0x15e: {  	v3 =	vadd.s32 v0, v6;
	v6 =	vld [tilespmem:s11+$0x4390]  }
0x15f: {  	v15 =	vld [tilespmem:s11+$0x44B0]  }
0x160: {  	s23 =	sor.u32 $0x4380, s23;
	v1 =	vadd.s32 v0, v4;
	v4 =	vld [tilespmem:s11+$0x4400]  }
0x161: {  	s3 =	smov.u32 s23;
	s23 =	rddreg [dreg:$0xa];
	[tilespmem:s9+$0x8380] =	vst v9;
	v9 =	vld.idx.msk [tilespmem:v5+s1+$0x0], $0xffff;
	v10 =	vadd.s32 v0, v10  }
0x162: {  	s29 =	rddreg [dreg:$0xe];
	v11 =	vld [tilespmem:s11+$0x43A0];
	v12 =	vadd.s32 v0, v7  }
0x163: {  	s20 =	sadd.s32 $0x4, s20;
	s21 =	rddreg [dreg:$0x3];
	[tilespmem:s0+$0x8380] =	vst v8;
	v8 =	vld [tilespmem:s11+$0x4410];
	v13 =	vadd.s32 v0, v6  }
0x164: {  	p1 =	slt.u32 s20, $0x7C;
	s4 =	rddreg [dreg:$0x4];
	v14 =	vld [tilespmem:s11+$0x4420]  }
.Ltmp0:
0x165: {  	s16 =	smov.u32 s29;
	s29 =	rddreg [dreg:$0x7];
	v5 =	vld [tilespmem:s11+$0x4480];
	(pc) =	sbr.rel @p1 .LBB2_2-.Ltmp0, $4  }
0x166: {  	s8 =	sadd.s32 $0x40, s8;
	s2 =	sadd.s32 $0x200, s2;
	s7 =	rddreg [dreg:$0x8];
	[tilespmem:s11+$0xC3B0] =	vst v9;
	v6 =	vld.idx.msk [tilespmem:v10+s1+$0x0], $0xffff  }
0x167: {  	s10 =	smov.u32 s4;
	s4 =	smov.u32 s23;
	s6 =	rddreg [dreg:$0x9];
	v10 =	vadd.s32 v0, v11;
	v11 =	vld.idx.msk [tilespmem:v12+s1+$0x0], $0xffff  }
0x168: {  	s5 =	smov.u32 s29;
	v2 =	vadd.s32 v0, v2;
	s14 =	smov.u32 s6;
	s24 =	rddreg [dreg:$0x6];
	v7 =	vadd.s32 v0, v4;
	v13 =	vld.idx.msk [tilespmem:v13+s1+$0x0], $0xffff  }
0x169: {  	s6 =	smov.u32 s7;
	s7 =	smov.u32 s21;
	s9 =	smov.u32 s24;
	v9 =	vadd.s32 v0, v8;
	v12 =	vadd.s32 v0, v15;
	v4 =	vadd.s32 v0, v14;
	v14 =	vld [tilespmem:s11+$0x4490]  }
0x16a: {  	_ =	sdelay $0x3  }
0x16b: {  	v8 =	vld.idx.msk [tilespmem:v10+s1+$0x0], $0xffff  }
0x16c: {  	v44 =	vld [tilespmem:s11+$0x44A0]  }
0x16d: {  	v15 =	vld [tilespmem:s11+$0x4530]  }
0x16e: {  	v50 =	vld [tilespmem:s11+$0x4500];
	[tilespmem:s11+$0xC380] =	vst v6  }
0x16f: {  	v6 =	vld.idx.msk [tilespmem:v7+s1+$0x0], $0xffff;
	[tilespmem:s11+$0xC390] =	vst v13  }
0x170: {  	v5 =	vadd.s32 v0, v5;
	v45 =	vld.idx.msk [tilespmem:v9+s1+$0x0], $0xffff;
	[tilespmem:s11+$0xC3A0] =	vst v8  }
0x171: {  	[tilespmem:s11+$0xC430] =	vst v11;
	v46 =	vadd.s32 v0, v14;
	v4 =	vld.idx.msk [tilespmem:v4+s1+$0x0], $0xffff  }
0x172: {  	v48 =	vld.idx.msk [tilespmem:v12+s1+$0x0], $0xffff;
	v47 =	vadd.s32 v0, v44  }
0x173: {  	v51 =	vld [tilespmem:s11+$0x4510];
	v49 =	vadd.s32 v0, v15  }
0x174: {  	v52 =	vld [tilespmem:s11+$0x4520];
	[tilespmem:s11+$0xC400] =	vst v6  }
0x175: {  	v5 =	vld.idx.msk [tilespmem:v5+s1+$0x0], $0xffff;
	[tilespmem:s11+$0xC410] =	vst v45  }
0x176: {  	v7 =	vld.idx.msk [tilespmem:v46+s1+$0x0], $0xffff;
	[tilespmem:s11+$0xC420] =	vst v4  }
0x177: {  	[tilespmem:s11+$0xC4B0] =	vst v48;
	v4 =	vld.idx.msk [tilespmem:v47+s1+$0x0], $0xffff  }
0x178: {  	v6 =	vld.idx.msk [tilespmem:v49+s1+$0x0], $0xffff;
	_ =	sdelay $0x1  }
0x179: {  	[tilespmem:s11+$0xC480] =	vst v5;
	v5 =	vadd.s32 v0, v50  }
0x17a: {  	[tilespmem:s11+$0xC490] =	vst v7;
	v7 =	vadd.s32 v0, v51  }
0x17b: {  	[tilespmem:s11+$0xC4A0] =	vst v4;
	v4 =	vadd.s32 v0, v52  }
0x17c: {  	s0 =	sor.u32 $0x4200, s15;
	[tilespmem:s11+$0xC530] =	vst v6  }
0x17d: {  	v6 =	vld [tilespmem:s0+$0x380]  }
0x17e: {  	v5 =	vld.idx.msk [tilespmem:v5+s1+$0x0], $0xffff  }
0x17f: {  	v7 =	vld.idx.msk [tilespmem:v7+s1+$0x0], $0xffff  }
0x180: {  	v4 =	vld.idx.msk [tilespmem:v4+s1+$0x0], $0xffff;
	_ =	sdelay $0x1  }
0x181: {  	v6 =	vadd.s32 v0, v6  }
0x182: {  	[tilespmem:s11+$0xC500] =	vst v5  }
0x183: {  	v5 =	vld [tilespmem:s28+$0x380];
	[tilespmem:s11+$0xC510] =	vst v7  }
0x184: {  	v53 =	vld [tilespmem:s26+$0x380];
	[tilespmem:s11+$0xC520] =	vst v4  }
0x185: {  	v54 =	vld [tilespmem:s17+$0x380]  }
0x186: {  	v6 =	vld.idx.msk [tilespmem:v6+s1+$0x0], $0xffff;
	_ =	sdelay $0x1  }
0x187: {  	v5 =	vadd.s32 v0, v5  }
0x188: {  	v4 =	vadd.s32 v0, v53  }
0x189: {  	v7 =	vadd.s32 v0, v54  }
0x18a: {  	s24 =	sor.u32 $0x4280, s15;
	[tilespmem:s0+$0x8380] =	vst v6  }
0x18b: {  	v6 =	vld [tilespmem:s24+$0x380]  }
0x18c: {  	v5 =	vld.idx.msk [tilespmem:v5+s1+$0x0], $0xffff  }
0x18d: {  	v4 =	vld.idx.msk [tilespmem:v4+s1+$0x0], $0xffff  }
0x18e: {  	v7 =	vld.idx.msk [tilespmem:v7+s1+$0x0], $0xffff;
	_ =	sdelay $0x1  }
0x18f: {  	v6 =	vadd.s32 v0, v6  }
0x190: {  	[tilespmem:s28+$0x8380] =	vst v5  }
0x191: {  	v56 =	vld [tilespmem:s16+$0x380];
	[tilespmem:s26+$0x8380] =	vst v4  }
0x192: {  	v57 =	vld [tilespmem:s14+$0x380];
	[tilespmem:s17+$0x8380] =	vst v7  }
0x193: {  	v7 =	vld [tilespmem:s6+$0x380]  }
0x194: {  	v55 =	vld.idx.msk [tilespmem:v6+s1+$0x0], $0xffff;
	_ =	sdelay $0x1  }
0x195: {  	v4 =	vadd.s32 v0, v56  }
0x196: {  	v6 =	vadd.s32 v0, v57  }
0x197: {  	v7 =	vadd.s32 v0, v7  }
0x198: {  	s28 =	sor.u32 $0x4300, s15;
	[tilespmem:s24+$0x8380] =	vst v55  }
0x199: {  	v5 =	vld [tilespmem:s28+$0x380]  }
0x19a: {  	v4 =	vld.idx.msk [tilespmem:v4+s1+$0x0], $0xffff  }
0x19b: {  	v6 =	vld.idx.msk [tilespmem:v6+s1+$0x0], $0xffff  }
0x19c: {  	v7 =	vld.idx.msk [tilespmem:v7+s1+$0x0], $0xffff;
	_ =	sdelay $0x1  }
0x19d: {  	v5 =	vadd.s32 v0, v5  }
0x19e: {  	[tilespmem:s16+$0x8380] =	vst v4  }
0x19f: {  	v59 =	vld [tilespmem:s31+$0x380];
	[tilespmem:s14+$0x8380] =	vst v6  }
0x1a0: {  	v6 =	vld [tilespmem:s30+$0x380];
	[tilespmem:s6+$0x8380] =	vst v7  }
0x1a1: {  	v7 =	vld [tilespmem:s12+$0x380]  }
0x1a2: {  	v58 =	vld.idx.msk [tilespmem:v5+s1+$0x0], $0xffff;
	_ =	sdelay $0x1  }
0x1a3: {  	v5 =	vadd.s32 v0, v59  }
0x1a4: {  	v2 =	vld.idx.msk [tilespmem:v2+s1+$0x0], $0xffff;
	v6 =	vadd.s32 v0, v6  }
0x1a5: {  	v3 =	vld.idx.msk [tilespmem:v3+s1+$0x0], $0xffff;
	v60 =	vadd.s32 v0, v7  }
0x1a6: {  	s29 =	sor.u32 $0x4380, s15;
	v1 =	vld.idx.msk [tilespmem:v1+s1+$0x0], $0xffff;
	[tilespmem:s28+$0x8380] =	vst v58  }
0x1a7: {  	v61 =	vld [tilespmem:s29+$0x380]  }
0x1a8: {  	v5 =	vld.idx.msk [tilespmem:v5+s1+$0x0], $0xffff  }
0x1a9: {  	v6 =	vld.idx.msk [tilespmem:v6+s1+$0x0], $0xffff  }
0x1aa: {  	[tilespmem:s19+$0x8380] =	vst v2;
	v2 =	vld.idx.msk [tilespmem:v60+s1+$0x0], $0xffff  }
0x1ab: {  	[tilespmem:s22+$0x8380] =	vst v3;
	v3 =	vld [tilespmem:s10+$0x380]  }
0x1ac: {  	[tilespmem:s25+$0x8380] =	vst v1;
	v1 =	vld [tilespmem:s7+$0x380]  }
0x1ad: {  	v62 =	vld [tilespmem:s9+$0x380];
	[tilespmem:s31+$0x8380] =	vst v5  }
0x1ae: {  	v5 =	vld [tilespmem:s3+$0x380];
	[tilespmem:s30+$0x8380] =	vst v6  }
0x1af: {  	v6 =	vld [tilespmem:s4+$0x380];
	[tilespmem:s12+$0x8380] =	vst v2;
	v2 =	vadd.s32 v0, v61  }
0x1b0: {  	v3 =	vadd.s32 v0, v3;
	v63 =	vld [tilespmem:s5+$0x380]  }
0x1b1: {  	v1 =	vadd.s32 v0, v1  }
0x1b2: {  	v4 =	vadd.s32 v0, v62  }
0x1b3: {  	v5 =	vadd.s32 v0, v5  }
0x1b4: {  	v6 =	vadd.s32 v0, v6;
	v2 =	vld.idx.msk [tilespmem:v2+s1+$0x0], $0xffff  }
0x1b5: {  	v3 =	vld.idx.msk [tilespmem:v3+s1+$0x0], $0xffff;
	v7 =	vadd.s32 v0, v63  }
0x1b6: {  	v1 =	vld.idx.msk [tilespmem:v1+s1+$0x0], $0xffff  }
0x1b7: {  	v4 =	vld.idx.msk [tilespmem:v4+s1+$0x0], $0xffff  }
0x1b8: {  	v5 =	vld.idx.msk [tilespmem:v5+s1+$0x0], $0xffff  }
0x1b9: {  	[tilespmem:s29+$0x8380] =	vst v2;
	v2 =	vld.idx.msk [tilespmem:v6+s1+$0x0], $0xffff  }
0x1ba: {  	[tilespmem:s10+$0x8380] =	vst v3;
	v3 =	vld.idx.msk [tilespmem:v7+s1+$0x0], $0xffff  }
0x1bb: {  	[tilespmem:s7+$0x8380] =	vst v1  }
0x1bc: {  	[tilespmem:s9+$0x8380] =	vst v4  }
0x1bd: {  	[tilespmem:s3+$0x8380] =	vst v5  }
0x1be: {  	[tilespmem:s4+$0x8380] =	vst v2  }
0x1bf: {  	[tilespmem:s5+$0x8380] =	vst v3  }
0x1c0: {  	s2 =	simm.s32 $0x8380;
	s3 =	simm.s32 $0x1;
	s0 =	rddreg [dreg:$0x1c]  }
0x1c1: {  	[hbm4b:s0+s1] =	stream.linear.scatter [tilespmem:s2], [sflag:$0x1], $0x8000, $0x38;
	[tilespmem:$0x10380] =	vst v63  }
0x1c2: {  	_ =	swait.ge [sflag:s3], $0x8000  }
0x1c3: {  	s30 =	rddreg [dreg:$0x1e]  }
0x1c4: {  	s31 =	rddreg [dreg:$0x1d];
	s2 =	sadd.s32 $0x1, s30  }
0x1c5: {  	p0 =	sne.s32 s2, s31  }
.Ltmp1:
0x1c6: {  	_ = 	snop;
	(pc) =	sbr.rel @p0 .LBB2_1-.Ltmp1, $3  }
0x1c7: {  	_ =	sdelay $0x1  }
0x1c8: {  	[sflag:s3] =	ssyncset.done $0x0  }
0x1c9: {  	[sflag:s3] =	ssyncadd.s32 $0xFFFF8000  }
0x1ca: {  	_ =	sfence.sel $0x180000  }
0x1cb: {  	[bflag:$0x0] =	sbarrier.arrive $0xFFFF  }
0x1cc: {  	_ =	strace $0x90000047  }
0x1cd: {  	s0 =	stileid.u32;
	[bflag:$0x2] =	sbarrier.arrive $0xFFFF  }
0x1ce: {  	p0 =	sne.s32 s0, $0x0;
	s0 =	rddreg [dreg:$0x2]  }
0x1cf: {  	s0 =	sadd.s32 @!p0 $0x100000, s0  }
0x1d0: {  	[sflag:s0] =	ssyncadd.tile.s32 @!p0 $0x1;
	_ =	shalt  }
.Lfunc_end2:
_tile_overlayer_lowered:
.L_overlay_start_2:
0x1d1: {  	(tag) =	ssettag $0x2  }
0x1d2: {  	s0 =	rddreg [dreg:$0x0];
	s2 =	stileid.u32  }
0x1d3: {  	s1 =	rddreg [dreg:$0x1];
	p0 =	sne.s32 s2, $0x0  }
0x1d4: {  	s3 =	rddreg [dreg:$0x2];
	[bflag:$0x3] =	sbarrier.arrive $0xFFFF;
	s2 =	simm.s32 @!p0 $0x1C01  }
0x1d5: {  	[timem:s3], [sflag:s2] =	dma.local @!p0 [hbm:s0], s1  }
0x1d6: {  	s0 =	simm.s32 @!p0 $0x1  }
0x1d7: {  	_ =	swait.ge @!p0 [sflag:s0], s1  }
0x1d8: {  	s1 =	ssub.s32 @!p0 $0x0, s1;
	[sflag:s0] =	ssyncset.done @!p0 $0x0  }
0x1d9: {  	[sflag:s0] =	ssyncadd.s32 @!p0 s1  }
0x1da: {  	[bflag:$0x3] =	sbarrier.arrive $0xFFFF  }
0x1db: {  	_ =	shalt  }

</sc_bundles>
